<compile_context>
chip_gen: v7x
topology: tpu7x:2x2x1
jax: 0.10.2.dev20260603
libtpu: 0.0.44.dev20260713+nightly
codegen_flags: <defaults>
</compile_context>

<pallas_src>
import dataclasses
import functools

import jax
import jax.numpy as jnp
from jax import lax
from jax.experimental import pallas as pl
from jax.experimental.pallas import tpu as pltpu
from jax.experimental.pallas import tpu_sc as plsc

NC = 2
NS = 16
LANES = 16

_HIST_WIN = 10000
_AGG_WIN = 2000


def _sc_compiler_params():
    cp = pltpu.CompilerParams()
    if "needs_layout_passes" in pltpu.CompilerParams.__dataclass_fields__:
        cp = dataclasses.replace(cp, needs_layout_passes=False)
    return cp


def _sc_degree_hist(eflat, e, n_pad):
    ept = e // NS
    win = _HIST_WIN
    assert e % NS == 0 and ept % win == 0 and win % 80 == 0
    nwin = ept // win
    assert nwin % 2 == 0
    mesh = plsc.VectorSubcoreMesh(core_axis_name="c", subcore_axis_name="s",
                                  num_cores=NC, num_subcores=NS)

    @functools.partial(
        pl.kernel,
        out_type=jax.ShapeDtypeStruct((NC * NS * n_pad,), jnp.float32),
        mesh=mesh,
        compiler_params=_sc_compiler_params(),
        scratch_types=[
            pltpu.VMEM((n_pad,), jnp.float32),
            pltpu.VMEM((win,), jnp.int32),
            pltpu.VMEM((win,), jnp.int32),
            pltpu.SemaphoreType.DMA,
            pltpu.SemaphoreType.DMA,
        ],
    )
    def hist_kernel(eidx_hbm, out_hbm, hist, ibuf0, ibuf1, sem0, sem1):
        c = lax.axis_index("c")
        s = lax.axis_index("s")
        ibufs = (ibuf0, ibuf1)
        sems = (sem0, sem1)
        zeros = jnp.zeros((LANES,), jnp.float32)
        ones = jnp.full((LANES,), 1.0, jnp.float32)

        @plsc.parallel_loop(0, n_pad, step=LANES, unroll=8)
        def _(i):
            hist[pl.ds(i, LANES)] = zeros

        base = c * e + s * ept
        for k in range(2):
            pltpu.async_copy(
                eidx_hbm.at[pl.ds(base + k * win, win)], ibufs[k], sems[k]
            )

        @pl.loop(0, nwin, step=2)
        def _(w):
            for k in range(2):
                pltpu.make_async_copy(
                    eidx_hbm.at[pl.ds(base, win)], ibufs[k], sems[k]
                ).wait()

                @plsc.parallel_loop(0, win, step=LANES, unroll=20)
                def _(i):
                    idx = ibufs[k][pl.ds(i, LANES)]
                    plsc.addupdate_scatter(hist, [idx], ones)

                nxt = w + k + 2

                @pl.when(nxt < nwin)
                def _():
                    pltpu.async_copy(
                        eidx_hbm.at[pl.ds(base + nxt * win, win)],
                        ibufs[k],
                        sems[k],
                    )

        pltpu.sync_copy(hist, out_hbm.at[pl.ds((c * NS + s) * n_pad, n_pad)])

    return hist_kernel(eflat)


def _sc_aggregate(feat_pad, eflat, edge_weight, e, n_pad):
    epw = e // (NC * NS)
    win = _AGG_WIN
    assert e % (NC * NS) == 0 and epw % win == 0 and win % 80 == 0
    nwin = epw // win
    assert nwin % 2 == 0 and n_pad % (8 * NS) == 0
    mesh = plsc.VectorSubcoreMesh(core_axis_name="c", subcore_axis_name="s",
                                  num_cores=NC, num_subcores=NS)

    @functools.partial(
        pl.kernel,
        out_type=jax.ShapeDtypeStruct((NC * NS * n_pad,), jnp.float32),
        mesh=mesh,
        compiler_params=_sc_compiler_params(),
        scratch_types=[
            pltpu.VMEM((n_pad,), jnp.float32),
            pltpu.VMEM_SHARED((n_pad,), jnp.float32),
            [pltpu.VMEM((win,), jnp.int32)] * 2,
            [pltpu.VMEM((win,), jnp.int32)] * 2,
            [pltpu.VMEM((win,), jnp.float32)] * 2,
            [pltpu.VMEM((win,), jnp.float32)] * 2,
            [pltpu.SemaphoreType.DMA] * 2,
            [pltpu.SemaphoreType.DMA] * 2,
            [pltpu.SemaphoreType.DMA] * 2,
            [pltpu.SemaphoreType.DMA] * 2,
        ],
    )
    def agg_kernel(feat_hbm, eidx_hbm, ew_hbm, out_hbm, h, featsh, sbuf, dbuf,
                   wbuf, fbuf, ssems, dsems, wsems, gsems):
        c = lax.axis_index("c")
        s = lax.axis_index("s")
        zeros = jnp.zeros((LANES,), jnp.float32)

        @pl.when(s == 0)
        def _():
            pltpu.async_copy(feat_hbm, featsh, gsems[0])

        @plsc.parallel_loop(0, n_pad, step=LANES, unroll=8)
        def _(i):
            h[pl.ds(i, LANES)] = zeros

        @pl.when(s == 0)
        def _():
            pltpu.make_async_copy(feat_hbm, featsh, gsems[0]).wait()

        plsc.subcore_barrier()

        base = (c * NS + s) * epw

        def start_window(w, k):
            pltpu.async_copy(
                eidx_hbm.at[pl.ds(base + w * win, win)], sbuf[k], ssems[k]
            )
            pltpu.async_copy(
                eidx_hbm.at[pl.ds(e + base + w * win, win)], dbuf[k],
                dsems[k]
            )
            pltpu.async_copy(
                ew_hbm.at[pl.ds(base + w * win, win)], wbuf[k], wsems[k]
            )

        def wait_src(k):
            pltpu.make_async_copy(
                eidx_hbm.at[pl.ds(base, win)], sbuf[k], ssems[k]
            ).wait()

        def start_gather(k):
            pltpu.async_copy(featsh.at[sbuf[k]], fbuf[k], gsems[k])

        def wait_gather(k):
            pltpu.make_async_copy(
                featsh.at[sbuf[k]], fbuf[k], gsems[k]
            ).wait()

        start_window(0, 0)
        start_window(1, 1)
        wait_src(0)
        start_gather(0)

        @pl.loop(0, nwin, step=2)
        def _(w):
            for k in range(2):
                cur = w + k
                nxt = cur + 1

                @pl.when(nxt < nwin)
                def _():
                    wait_src(1 - k)
                    start_gather(1 - k)

                wait_gather(k)
                pltpu.make_async_copy(
                    eidx_hbm.at[pl.ds(base, win)], dbuf[k], dsems[k]
                ).wait()
                pltpu.make_async_copy(
                    ew_hbm.at[pl.ds(base, win)], wbuf[k], wsems[k]
                ).wait()

                @plsc.parallel_loop(0, win, step=LANES, unroll=5)
                def _(i):
                    sl = pl.ds(i, LANES)
                    msg = fbuf[k][sl] * wbuf[k][sl]
                    plsc.addupdate_scatter(h, [dbuf[k][sl]], msg)

                @pl.when(cur + 2 < nwin)
                def _():
                    start_window(cur + 2, k)

        pltpu.sync_copy(h, out_hbm.at[pl.ds((c * NS + s) * n_pad, n_pad)])

    return agg_kernel(feat_pad, eflat, edge_weight)


def _rsqrt_exactish(x):
    y = jax.lax.rsqrt(x)
    y = y * (1.5 - 0.5 * x * y * y)
    y = y * (1.5 - 0.5 * x * y * y)
    return y


def _tc_feat(dp2, x0r, x1r, w_flat, n_pad):
    rows = n_pad // 128

    def body(w_ref, dp_ref, x0_ref, x1_ref, feat_ref, ir_ref):
        od = dp_ref[0:rows, :]
        for p in range(1, NS):
            od = od + dp_ref[p * rows:(p + 1) * rows, :]
        idg = dp_ref[NS * rows:(NS + 1) * rows, :]
        for p in range(NS + 1, 2 * NS):
            idg = idg + dp_ref[p * rows:(p + 1) * rows, :]
        od = jnp.maximum(od, 1.0)
        idg = jnp.maximum(idg, 1.0)
        xw = x0_ref[...] * w_ref[0, 0] + x1_ref[...] * w_ref[0, 1]
        feat_ref[...] = xw * _rsqrt_exactish(od)
        ir_ref[...] = _rsqrt_exactish(idg)

    return pl.pallas_call(
        body,
        out_shape=(
            jax.ShapeDtypeStruct((rows, 128), jnp.float32),
            jax.ShapeDtypeStruct((rows, 128), jnp.float32),
        ),
        in_specs=[
            pl.BlockSpec(memory_space=pltpu.SMEM),
            pl.BlockSpec(memory_space=pltpu.VMEM),
            pl.BlockSpec(memory_space=pltpu.VMEM),
            pl.BlockSpec(memory_space=pltpu.VMEM),
        ],
    )(w_flat, dp2, x0r, x1r)


def _tc_final(hp2, ir2, b, n_pad):
    rows = n_pad // 128

    def body(b_ref, hp_ref, ir_ref, o_ref):
        hsum = hp_ref[0:rows, :]
        for p in range(1, NC * NS):
            hsum = hsum + hp_ref[p * rows:(p + 1) * rows, :]
        o_ref[...] = hsum * ir_ref[...] + b_ref[0, 0]

    return pl.pallas_call(
        body,
        out_shape=jax.ShapeDtypeStruct((rows, 128), jnp.float32),
        in_specs=[
            pl.BlockSpec(memory_space=pltpu.SMEM),
            pl.BlockSpec(memory_space=pltpu.VMEM),
            pl.BlockSpec(memory_space=pltpu.VMEM),
        ],
    )(b.reshape(1, 1), hp2, ir2)


def kernel(x, edge_index, edge_weight, W, b):
    n = x.shape[0]
    e = edge_index.shape[1]
    n_pad = ((n + 1023) // 1024) * 1024
    rows = n_pad // 128
    pad = n_pad - n
    x0r = jnp.pad(x[:, 0], (0, pad)).reshape(rows, 128)
    x1r = jnp.pad(x[:, 1], (0, pad)).reshape(rows, 128)
    w_flat = W.reshape(1, 2)
    eflat = edge_index.reshape(2 * e)

    dp = _sc_degree_hist(eflat, e, n_pad)
    feat2, ir2 = _tc_feat(dp.reshape(NC * NS * rows, 128), x0r, x1r, w_flat,
                          n_pad)
    hp = _sc_aggregate(feat2.reshape(n_pad), eflat, edge_weight, e, n_pad)
    out2 = _tc_final(hp.reshape(NC * NS * rows, 128), ir2, b, n_pad)
    return out2.reshape(1, n_pad)[:, :n]

# --- scband reference (transcript-rebuilt; emitter-appended) ---
"""Pipeline reference for scband-gnn-52106543235761 (READ-ONLY COPY).

The authoritative reference and input builder live on the scoring server;
editing this copy changes nothing except your own understanding.
"""

import jax, jax.numpy as jnp
import numpy as np

N = 100000
E = 6400000
IN_FEATS = 2
OUT_FEATS = 1


def setup_inputs(seed: int = 0) -> dict:
    key = jax.random.key(seed)
    k1, k2, k3, k4 = jax.random.split(key, 4)
    x = jax.random.normal(k1, (N, IN_FEATS), dtype=jnp.float32)
    edge_index = jax.random.randint(k2, (2, E), 0, N, dtype=jnp.int32)
    edge_weight = jax.random.uniform(k3, (E,), dtype=jnp.float32)
    # GraphConv weight (Glorot-ish init) and bias
    W = jax.random.normal(k4, (IN_FEATS, OUT_FEATS), dtype=jnp.float32) * (1.0 / np.sqrt(IN_FEATS))
    b = jnp.zeros((OUT_FEATS,), dtype=jnp.float32)
    return {"x": x, "edge_index": edge_index, "edge_weight": edge_weight, "W": W, "b": b}


def reference(x, edge_index, edge_weight, W, b):
    # DGL GraphConv(2, 1, weight=True, bias=True), norm='both', with edge_weight.
    # norm='both': scale src feats by out_deg^{-1/2}, weighted-sum aggregate,
    # scale dst by in_deg^{-1/2}. Since in_feats > out_feats, apply W before aggregation.
    n = x.shape[0]
    src = edge_index[0]
    dst = edge_index[1]
    ones_e = jnp.ones((edge_index.shape[1],), dtype=jnp.float32)
    out_deg = jnp.maximum(jnp.zeros((n,), jnp.float32).at[src].add(ones_e), 1.0)
    in_deg = jnp.maximum(jnp.zeros((n,), jnp.float32).at[dst].add(ones_e), 1.0)
    feat = x * (out_deg ** -0.5)[:, None]
    feat = feat @ W  # [N, 1]
    msg = jnp.take(feat, src, axis=0) * edge_weight[:, None]  # gather + u_mul_e
    h = jnp.zeros((n, W.shape[1]), dtype=jnp.float32).at[dst].add(msg)  # scatter-add
    h = h * (in_deg ** -0.5)[:, None]
    h = h + b
    return h.transpose(1, 0)  # [1, N]

if __name__ == "__main__":
    import jax
    _d = setup_inputs()
    print(jax.jit(kernel)(*tuple(_d.values())))

</pallas_src>

<mosaic_0001>
#map = affine_map<(d0, d1) -> (0)>
module attributes {stable_mosaic.version = 14 : i64} {
  func.func @hist_kernel(%arg0: i32, %arg1: i32, %arg2: memref<12800000xi32, #tpu.memory_space<hbm>>, %arg3: memref<3211264xf32, #tpu.memory_space<hbm>>, %arg4: memref<100352xf32, #tpu.memory_space<vmem>>, %arg5: memref<10000xi32, #tpu.memory_space<vmem>>, %arg6: memref<10000xi32, #tpu.memory_space<vmem>>, %arg7: memref<!tpu.dma_semaphore, #tpu.memory_space<semaphore_mem>>, %arg8: memref<!tpu.dma_semaphore, #tpu.memory_space<semaphore_mem>>) attributes {dimension_semantics = [#tpu.dimension_semantics<core_parallel>, #tpu.dimension_semantics<subcore_parallel>], iteration_bounds = array<i64: 2, 16>, scalar_prefetch = 0 : i64, scratch_operands = 5 : i64, tpu.core_type = #tpu.core_type<sc_vector_subcore>, window_params = [{transform_indices = #map}, {transform_indices = #map}]} {
    %broadcast_in_dim3A = arith.constant 0.000000e+00 : f32
    %broadcast_in_dim3A_0 = vector.broadcast %broadcast_in_dim3A : f32 to vector<16xf32>
    %broadcast_in_dim3A_1 = arith.constant 1.000000e+00 : f32
    %broadcast_in_dim3A_2 = vector.broadcast %broadcast_in_dim3A_1 : f32 to vector<16xf32>
    %parallel_loop3A = arith.constant 0 : i32
    %parallel_loop3A_3 = arith.constant 100352 : i32
    %parallel_loop3A_4 = arith.constant 16 : i32
    scf.for %parallel_loop3A_24 = %parallel_loop3A to %parallel_loop3A_3 step %parallel_loop3A_4  : i32 {
      %parallel_loop3A_25 = arith.index_cast %parallel_loop3A_24 : i32 to index
      %parallel_loop3A_26 = tpu.vector_load %arg4[%parallel_loop3A_25] {strides = array<i32>} : memref<100352xf32, #tpu.memory_space<vmem>>, vector<16xf32>,
      tpu.vector_store %arg4[%parallel_loop3A_25], %broadcast_in_dim3A_0 {strides = array<i32>} : memref<100352xf32, #tpu.memory_space<vmem>>, vector<16xf32>,
    } {sc.loop_unroll_factor = 8 : i64, sc.parallel_access}
    %mul3A = arith.constant 6400000 : i32
    %mul3A_5 = arith.muli %arg0, %mul3A : i32
    %mul3A_6 = arith.constant 400000 : i32
    %mul3A_7 = arith.muli %arg1, %mul3A_6 : i32
    %add3A = arith.addi %mul3A_5, %mul3A_7 : i32
    %add3A_8 = arith.constant 0 : i32
    %add3A_9 = arith.addi %add3A, %add3A_8 : i32
    %dma_start3A = tpu.memref_slice %arg2[%add3A_9] : memref<12800000xi32, #tpu.memory_space<hbm>> -> memref<10000xi32, #tpu.memory_space<hbm>>
    %dma_start3A_10 = tpu.memref_slice %arg2[%add3A_9] : memref<12800000xi32, #tpu.memory_space<hbm>> -> memref<10000xi32, #tpu.memory_space<hbm>>
    tpu.enqueue_dma source(%dma_start3A_10 : memref<10000xi32, #tpu.memory_space<hbm>>) target(%arg5 : memref<10000xi32, #tpu.memory_space<vmem>>) target_semaphore(%arg7 : memref<!tpu.dma_semaphore, #tpu.memory_space<semaphore_mem>>)
    %add3A_11 = arith.constant 10000 : i32
    %add3A_12 = arith.addi %add3A, %add3A_11 : i32
    %dma_start3A_13 = tpu.memref_slice %arg2[%add3A_12] : memref<12800000xi32, #tpu.memory_space<hbm>> -> memref<10000xi32, #tpu.memory_space<hbm>>
    %dma_start3A_14 = tpu.memref_slice %arg2[%add3A_12] : memref<12800000xi32, #tpu.memory_space<hbm>> -> memref<10000xi32, #tpu.memory_space<hbm>>
    tpu.enqueue_dma source(%dma_start3A_14 : memref<10000xi32, #tpu.memory_space<hbm>>) target(%arg6 : memref<10000xi32, #tpu.memory_space<vmem>>) target_semaphore(%arg8 : memref<!tpu.dma_semaphore, #tpu.memory_space<semaphore_mem>>)
    %scan3A = arith.constant 0 : i32
    %scan3A_15 = arith.constant 20 : i32
    %scan3A_16 = arith.addi %scan3A, %scan3A_15 : i32
    %scan3A_17 = arith.constant 1 : i32
    scf.for %scan3A_24 = %scan3A to %scan3A_16 step %scan3A_17  : i32 {
      %mul3A_25 = arith.constant 2 : i32
      %mul3A_26 = arith.muli %scan3A_24, %mul3A_25 : i32
      %add3A_27 = arith.constant 0 : i32
      %add3A_28 = arith.addi %add3A_27, %mul3A_26 : i32
      %dma_wait3A = tpu.memref_slice %arg2[%add3A] : memref<12800000xi32, #tpu.memory_space<hbm>> -> memref<10000xi32, #tpu.memory_space<hbm>>
      %dma_wait3A_29 = tpu.memref_slice %arg2[%add3A] : memref<12800000xi32, #tpu.memory_space<hbm>> -> memref<10000xi32, #tpu.memory_space<hbm>>
      tpu.wait_dma2 semaphore(%arg7 : memref<!tpu.dma_semaphore, #tpu.memory_space<semaphore_mem>>) src(%dma_wait3A_29 : memref<10000xi32, #tpu.memory_space<hbm>>) dst(%arg5 : memref<10000xi32, #tpu.memory_space<vmem>>)
      %parallel_loop3A_30 = arith.constant 0 : i32
      %parallel_loop3A_31 = arith.constant 10000 : i32
      %parallel_loop3A_32 = arith.constant 16 : i32
      scf.for %parallel_loop3A_53 = %parallel_loop3A_30 to %parallel_loop3A_31 step %parallel_loop3A_32  : i32 {
        %parallel_loop3A_54 = arith.index_cast %parallel_loop3A_53 : i32 to index
        %parallel_loop3A_55 = tpu.vector_load %arg5[%parallel_loop3A_54] {strides = array<i32>} : memref<10000xi32, #tpu.memory_space<vmem>>, vector<16xi32>,
        tpu.vector_store_idx %arg4[%parallel_loop3A_55], %broadcast_in_dim3A_2 {add = true} : memref<100352xf32, #tpu.memory_space<vmem>>[vector<16xi32>], vector<16xf32>,
      } {sc.loop_unroll_factor = 20 : i64, sc.parallel_access}
      %add3A_33 = arith.constant 0 : i32
      %add3A_34 = arith.addi %add3A_28, %add3A_33 : i32
      %add3A_35 = arith.constant 2 : i32
      %add3A_36 = arith.addi %add3A_34, %add3A_35 : i32
      %lt3A = arith.constant 40 : i32
      %lt3A_37 = arith.cmpi slt, %add3A_36, %lt3A : i32
      %convert_element_type3A = arith.extui %lt3A_37 : i1 to i32
      %cond3A = arith.constant 0 : i32
      %cond3A_38 = arith.cmpi ne, %convert_element_type3A, %cond3A : i32
      scf.if %cond3A_38 {
        %mul3A_53 = arith.constant 10000 : i32
        %mul3A_54 = arith.muli %add3A_36, %mul3A_53 : i32
        %add3A_55 = arith.addi %add3A, %mul3A_54 : i32
        %dma_start3A_56 = tpu.memref_slice %arg2[%add3A_55] : memref<12800000xi32, #tpu.memory_space<hbm>> -> memref<10000xi32, #tpu.memory_space<hbm>>
        %dma_start3A_57 = tpu.memref_slice %arg2[%add3A_55] : memref<12800000xi32, #tpu.memory_space<hbm>> -> memref<10000xi32, #tpu.memory_space<hbm>>
        tpu.enqueue_dma source(%dma_start3A_57 : memref<10000xi32, #tpu.memory_space<hbm>>) target(%arg5 : memref<10000xi32, #tpu.memory_space<vmem>>) target_semaphore(%arg7 : memref<!tpu.dma_semaphore, #tpu.memory_space<semaphore_mem>>)
      } else {
      }
      %dma_wait3A_39 = tpu.memref_slice %arg2[%add3A] : memref<12800000xi32, #tpu.memory_space<hbm>> -> memref<10000xi32, #tpu.memory_space<hbm>>
      %dma_wait3A_40 = tpu.memref_slice %arg2[%add3A] : memref<12800000xi32, #tpu.memory_space<hbm>> -> memref<10000xi32, #tpu.memory_space<hbm>>
      tpu.wait_dma2 semaphore(%arg8 : memref<!tpu.dma_semaphore, #tpu.memory_space<semaphore_mem>>) src(%dma_wait3A_40 : memref<10000xi32, #tpu.memory_space<hbm>>) dst(%arg6 : memref<10000xi32, #tpu.memory_space<vmem>>)
      %parallel_loop3A_41 = arith.constant 0 : i32
      %parallel_loop3A_42 = arith.constant 10000 : i32
      %parallel_loop3A_43 = arith.constant 16 : i32
      scf.for %parallel_loop3A_53 = %parallel_loop3A_41 to %parallel_loop3A_42 step %parallel_loop3A_43  : i32 {
        %parallel_loop3A_54 = arith.index_cast %parallel_loop3A_53 : i32 to index
        %parallel_loop3A_55 = tpu.vector_load %arg6[%parallel_loop3A_54] {strides = array<i32>} : memref<10000xi32, #tpu.memory_space<vmem>>, vector<16xi32>,
        tpu.vector_store_idx %arg4[%parallel_loop3A_55], %broadcast_in_dim3A_2 {add = true} : memref<100352xf32, #tpu.memory_space<vmem>>[vector<16xi32>], vector<16xf32>,
      } {sc.loop_unroll_factor = 20 : i64, sc.parallel_access}
      %add3A_44 = arith.constant 1 : i32
      %add3A_45 = arith.addi %add3A_28, %add3A_44 : i32
      %add3A_46 = arith.constant 2 : i32
      %add3A_47 = arith.addi %add3A_45, %add3A_46 : i32
      %lt3A_48 = arith.constant 40 : i32
      %lt3A_49 = arith.cmpi slt, %add3A_47, %lt3A_48 : i32
      %convert_element_type3A_50 = arith.extui %lt3A_49 : i1 to i32
      %cond3A_51 = arith.constant 0 : i32
      %cond3A_52 = arith.cmpi ne, %convert_element_type3A_50, %cond3A_51 : i32
      scf.if %cond3A_52 {
        %mul3A_53 = arith.constant 10000 : i32
        %mul3A_54 = arith.muli %add3A_47, %mul3A_53 : i32
        %add3A_55 = arith.addi %add3A, %mul3A_54 : i32
        %dma_start3A_56 = tpu.memref_slice %arg2[%add3A_55] : memref<12800000xi32, #tpu.memory_space<hbm>> -> memref<10000xi32, #tpu.memory_space<hbm>>
        %dma_start3A_57 = tpu.memref_slice %arg2[%add3A_55] : memref<12800000xi32, #tpu.memory_space<hbm>> -> memref<10000xi32, #tpu.memory_space<hbm>>
        tpu.enqueue_dma source(%dma_start3A_57 : memref<10000xi32, #tpu.memory_space<hbm>>) target(%arg6 : memref<10000xi32, #tpu.memory_space<vmem>>) target_semaphore(%arg8 : memref<!tpu.dma_semaphore, #tpu.memory_space<semaphore_mem>>)
      } else {
      }
    }
    %scan3A_18 = arith.constant 20 : i32
    %mul3A_19 = arith.constant 16 : i32
    %mul3A_20 = arith.muli %arg0, %mul3A_19 : i32
    %add3A_21 = arith.addi %mul3A_20, %arg1 : i32
    %mul3A_22 = arith.constant 100352 : i32
    %mul3A_23 = arith.muli %add3A_21, %mul3A_22 : i32
    "tpu.region"() ({
      %run_scoped3A = tpu.sem_alloc : memref<!tpu.dma_semaphore, #tpu.memory_space<semaphore_mem>>
      %dma_start3A_24 = tpu.memref_slice %arg3[%mul3A_23] : memref<3211264xf32, #tpu.memory_space<hbm>> -> memref<100352xf32, #tpu.memory_space<hbm>>
      %dma_start3A_25 = tpu.memref_slice %arg3[%mul3A_23] : memref<3211264xf32, #tpu.memory_space<hbm>> -> memref<100352xf32, #tpu.memory_space<hbm>>
      tpu.enqueue_dma source(%arg4 : memref<100352xf32, #tpu.memory_space<vmem>>) target(%dma_start3A_25 : memref<100352xf32, #tpu.memory_space<hbm>>) target_semaphore(%run_scoped3A : memref<!tpu.dma_semaphore, #tpu.memory_space<semaphore_mem>>)
      %dma_wait3A = tpu.memref_slice %arg3[%mul3A_23] : memref<3211264xf32, #tpu.memory_space<hbm>> -> memref<100352xf32, #tpu.memory_space<hbm>>
      %dma_wait3A_26 = tpu.memref_slice %arg3[%mul3A_23] : memref<3211264xf32, #tpu.memory_space<hbm>> -> memref<100352xf32, #tpu.memory_space<hbm>>
      tpu.wait_dma2 semaphore(%run_scoped3A : memref<!tpu.dma_semaphore, #tpu.memory_space<semaphore_mem>>) src(%arg4 : memref<100352xf32, #tpu.memory_space<vmem>>) dst(%dma_wait3A_26 : memref<100352xf32, #tpu.memory_space<hbm>>)
      tpu.yield
    }) : () -> ()
    return
  }
}

#map = affine_map<(d0, d1) -> (0)>
module attributes {stable_mosaic.version = 14 : i64} {
  func.func @agg_kernel(%arg0: i32, %arg1: i32, %arg2: memref<100352xf32, #tpu.memory_space<hbm>>, %arg3: memref<12800000xi32, #tpu.memory_space<hbm>>, %arg4: memref<6400000xf32, #tpu.memory_space<hbm>>, %arg5: memref<3211264xf32, #tpu.memory_space<hbm>>, %arg6: memref<100352xf32, #tpu.memory_space<vmem>>, %arg7: memref<100352xf32, #tpu.memory_space<vmem_shared>>, %arg8: memref<2000xi32, #tpu.memory_space<vmem>>, %arg9: memref<2000xi32, #tpu.memory_space<vmem>>, %arg10: memref<2000xi32, #tpu.memory_space<vmem>>, %arg11: memref<2000xi32, #tpu.memory_space<vmem>>, %arg12: memref<2000xf32, #tpu.memory_space<vmem>>, %arg13: memref<2000xf32, #tpu.memory_space<vmem>>, %arg14: memref<2000xf32, #tpu.memory_space<vmem>>, %arg15: memref<2000xf32, #tpu.memory_space<vmem>>, %arg16: memref<!tpu.dma_semaphore, #tpu.memory_space<semaphore_mem>>, %arg17: memref<!tpu.dma_semaphore, #tpu.memory_space<semaphore_mem>>, %arg18: memref<!tpu.dma_semaphore, #tpu.memory_space<semaphore_mem>>, %arg19: memref<!tpu.dma_semaphore, #tpu.memory_space<semaphore_mem>>, %arg20: memref<!tpu.dma_semaphore, #tpu.memory_space<semaphore_mem>>, %arg21: memref<!tpu.dma_semaphore, #tpu.memory_space<semaphore_mem>>, %arg22: memref<!tpu.dma_semaphore, #tpu.memory_space<semaphore_mem>>, %arg23: memref<!tpu.dma_semaphore, #tpu.memory_space<semaphore_mem>>) attributes {dimension_semantics = [#tpu.dimension_semantics<core_parallel>, #tpu.dimension_semantics<subcore_parallel>], iteration_bounds = array<i64: 2, 16>, scalar_prefetch = 0 : i64, scratch_operands = 18 : i64, tpu.core_type = #tpu.core_type<sc_vector_subcore>, window_params = [{transform_indices = #map}, {transform_indices = #map}, {transform_indices = #map}, {transform_indices = #map}]} {
    %broadcast_in_dim3A = arith.constant 0.000000e+00 : f32
    %broadcast_in_dim3A_0 = vector.broadcast %broadcast_in_dim3A : f32 to vector<16xf32>
    %eq3A = arith.constant 0 : i32
    %eq3A_1 = arith.cmpi eq, %arg1, %eq3A : i32
    %convert_element_type3A = arith.extui %eq3A_1 : i1 to i32
    %cond3A = arith.constant 0 : i32
    %cond3A_2 = arith.cmpi ne, %convert_element_type3A, %cond3A : i32
    scf.if %cond3A_2 {
      tpu.enqueue_dma source(%arg2 : memref<100352xf32, #tpu.memory_space<hbm>>) target(%arg7 : memref<100352xf32, #tpu.memory_space<vmem_shared>>) target_semaphore(%arg22 : memref<!tpu.dma_semaphore, #tpu.memory_space<semaphore_mem>>)
    } else {
    }
    %parallel_loop3A = arith.constant 0 : i32
    %parallel_loop3A_3 = arith.constant 100352 : i32
    %parallel_loop3A_4 = arith.constant 16 : i32
    scf.for %parallel_loop3A_52 = %parallel_loop3A to %parallel_loop3A_3 step %parallel_loop3A_4  : i32 {
      %parallel_loop3A_53 = arith.index_cast %parallel_loop3A_52 : i32 to index
      %parallel_loop3A_54 = tpu.vector_load %arg6[%parallel_loop3A_53] {strides = array<i32>} : memref<100352xf32, #tpu.memory_space<vmem>>, vector<16xf32>,
      tpu.vector_store %arg6[%parallel_loop3A_53], %broadcast_in_dim3A_0 {strides = array<i32>} : memref<100352xf32, #tpu.memory_space<vmem>>, vector<16xf32>,
    } {sc.loop_unroll_factor = 8 : i64, sc.parallel_access}
    %eq3A_5 = arith.constant 0 : i32
    %eq3A_6 = arith.cmpi eq, %arg1, %eq3A_5 : i32
    %convert_element_type3A_7 = arith.extui %eq3A_6 : i1 to i32
    %cond3A_8 = arith.constant 0 : i32
    %cond3A_9 = arith.cmpi ne, %convert_element_type3A_7, %cond3A_8 : i32
    scf.if %cond3A_9 {
      tpu.wait_dma2 semaphore(%arg22 : memref<!tpu.dma_semaphore, #tpu.memory_space<semaphore_mem>>) src(%arg2 : memref<100352xf32, #tpu.memory_space<hbm>>) dst(%arg7 : memref<100352xf32, #tpu.memory_space<vmem_shared>>)
    } else {
    }
    %barrier3A = arith.constant 0 : index
    tpu.barrier barrier_id(%barrier3A)
    %mul3A = arith.constant 16 : i32
    %mul3A_10 = arith.muli %arg0, %mul3A : i32
    %add3A = arith.addi %mul3A_10, %arg1 : i32
    %mul3A_11 = arith.constant 200000 : i32
    %mul3A_12 = arith.muli %add3A, %mul3A_11 : i32
    %add3A_13 = arith.constant 0 : i32
    %add3A_14 = arith.addi %mul3A_12, %add3A_13 : i32
    %dma_start3A = tpu.memref_slice %arg3[%add3A_14] : memref<12800000xi32, #tpu.memory_space<hbm>> -> memref<2000xi32, #tpu.memory_space<hbm>>
    %dma_start3A_15 = tpu.memref_slice %arg3[%add3A_14] : memref<12800000xi32, #tpu.memory_space<hbm>> -> memref<2000xi32, #tpu.memory_space<hbm>>
    tpu.enqueue_dma source(%dma_start3A_15 : memref<2000xi32, #tpu.memory_space<hbm>>) target(%arg8 : memref<2000xi32, #tpu.memory_space<vmem>>) target_semaphore(%arg16 : memref<!tpu.dma_semaphore, #tpu.memory_space<semaphore_mem>>)
    %add3A_16 = arith.constant 6400000 : i32
    %add3A_17 = arith.addi %add3A_16, %mul3A_12 : i32
    %add3A_18 = arith.constant 0 : i32
    %add3A_19 = arith.addi %add3A_17, %add3A_18 : i32
    %dma_start3A_20 = tpu.memref_slice %arg3[%add3A_19] : memref<12800000xi32, #tpu.memory_space<hbm>> -> memref<2000xi32, #tpu.memory_space<hbm>>
    %dma_start3A_21 = tpu.memref_slice %arg3[%add3A_19] : memref<12800000xi32, #tpu.memory_space<hbm>> -> memref<2000xi32, #tpu.memory_space<hbm>>
    tpu.enqueue_dma source(%dma_start3A_21 : memref<2000xi32, #tpu.memory_space<hbm>>) target(%arg10 : memref<2000xi32, #tpu.memory_space<vmem>>) target_semaphore(%arg18 : memref<!tpu.dma_semaphore, #tpu.memory_space<semaphore_mem>>)
    %add3A_22 = arith.constant 0 : i32
    %add3A_23 = arith.addi %mul3A_12, %add3A_22 : i32
    %dma_start3A_24 = tpu.memref_slice %arg4[%add3A_23] : memref<6400000xf32, #tpu.memory_space<hbm>> -> memref<2000xf32, #tpu.memory_space<hbm>>
    %dma_start3A_25 = tpu.memref_slice %arg4[%add3A_23] : memref<6400000xf32, #tpu.memory_space<hbm>> -> memref<2000xf32, #tpu.memory_space<hbm>>
    tpu.enqueue_dma source(%dma_start3A_25 : memref<2000xf32, #tpu.memory_space<hbm>>) target(%arg12 : memref<2000xf32, #tpu.memory_space<vmem>>) target_semaphore(%arg20 : memref<!tpu.dma_semaphore, #tpu.memory_space<semaphore_mem>>)
    %add3A_26 = arith.constant 2000 : i32
    %add3A_27 = arith.addi %mul3A_12, %add3A_26 : i32
    %dma_start3A_28 = tpu.memref_slice %arg3[%add3A_27] : memref<12800000xi32, #tpu.memory_space<hbm>> -> memref<2000xi32, #tpu.memory_space<hbm>>
    %dma_start3A_29 = tpu.memref_slice %arg3[%add3A_27] : memref<12800000xi32, #tpu.memory_space<hbm>> -> memref<2000xi32, #tpu.memory_space<hbm>>
    tpu.enqueue_dma source(%dma_start3A_29 : memref<2000xi32, #tpu.memory_space<hbm>>) target(%arg9 : memref<2000xi32, #tpu.memory_space<vmem>>) target_semaphore(%arg17 : memref<!tpu.dma_semaphore, #tpu.memory_space<semaphore_mem>>)
    %add3A_30 = arith.constant 6400000 : i32
    %add3A_31 = arith.addi %add3A_30, %mul3A_12 : i32
    %add3A_32 = arith.constant 2000 : i32
    %add3A_33 = arith.addi %add3A_31, %add3A_32 : i32
    %dma_start3A_34 = tpu.memref_slice %arg3[%add3A_33] : memref<12800000xi32, #tpu.memory_space<hbm>> -> memref<2000xi32, #tpu.memory_space<hbm>>
    %dma_start3A_35 = tpu.memref_slice %arg3[%add3A_33] : memref<12800000xi32, #tpu.memory_space<hbm>> -> memref<2000xi32, #tpu.memory_space<hbm>>
    tpu.enqueue_dma source(%dma_start3A_35 : memref<2000xi32, #tpu.memory_space<hbm>>) target(%arg11 : memref<2000xi32, #tpu.memory_space<vmem>>) target_semaphore(%arg19 : memref<!tpu.dma_semaphore, #tpu.memory_space<semaphore_mem>>)
    %add3A_36 = arith.constant 2000 : i32
    %add3A_37 = arith.addi %mul3A_12, %add3A_36 : i32
    %dma_start3A_38 = tpu.memref_slice %arg4[%add3A_37] : memref<6400000xf32, #tpu.memory_space<hbm>> -> memref<2000xf32, #tpu.memory_space<hbm>>
    %dma_start3A_39 = tpu.memref_slice %arg4[%add3A_37] : memref<6400000xf32, #tpu.memory_space<hbm>> -> memref<2000xf32, #tpu.memory_space<hbm>>
    tpu.enqueue_dma source(%dma_start3A_39 : memref<2000xf32, #tpu.memory_space<hbm>>) target(%arg13 : memref<2000xf32, #tpu.memory_space<vmem>>) target_semaphore(%arg21 : memref<!tpu.dma_semaphore, #tpu.memory_space<semaphore_mem>>)
    %dma_wait3A = tpu.memref_slice %arg3[%mul3A_12] : memref<12800000xi32, #tpu.memory_space<hbm>> -> memref<2000xi32, #tpu.memory_space<hbm>>
    %dma_wait3A_40 = tpu.memref_slice %arg3[%mul3A_12] : memref<12800000xi32, #tpu.memory_space<hbm>> -> memref<2000xi32, #tpu.memory_space<hbm>>
    tpu.wait_dma2 semaphore(%arg16 : memref<!tpu.dma_semaphore, #tpu.memory_space<semaphore_mem>>) src(%dma_wait3A_40 : memref<2000xi32, #tpu.memory_space<hbm>>) dst(%arg8 : memref<2000xi32, #tpu.memory_space<vmem>>)
    %dma_start3A_41 = arith.constant 0 : i32
    %dma_start3A_42 = tpu.memref_slice %arg7[%dma_start3A_41] : memref<100352xf32, #tpu.memory_space<vmem_shared>> -> memref<100352xf32, #tpu.memory_space<vmem_shared>>
    tpu.enqueue_indirect_dma source(%dma_start3A_42 : memref<100352xf32, #tpu.memory_space<vmem_shared>>) target(%arg14 : memref<2000xf32, #tpu.memory_space<vmem>>) offsets(%arg8 : memref<2000xi32, #tpu.memory_space<vmem>>) semaphore(%arg22 : memref<!tpu.dma_semaphore, #tpu.memory_space<semaphore_mem>>)
    %scan3A = arith.constant 0 : i32
    %scan3A_43 = arith.constant 50 : i32
    %scan3A_44 = arith.addi %scan3A, %scan3A_43 : i32
    %scan3A_45 = arith.constant 1 : i32
    scf.for %scan3A_52 = %scan3A to %scan3A_44 step %scan3A_45  : i32 {
      %mul3A_53 = arith.constant 2 : i32
      %mul3A_54 = arith.muli %scan3A_52, %mul3A_53 : i32
      %add3A_55 = arith.constant 0 : i32
      %add3A_56 = arith.addi %add3A_55, %mul3A_54 : i32
      %add3A_57 = arith.constant 0 : i32
      %add3A_58 = arith.addi %add3A_56, %add3A_57 : i32
      %add3A_59 = arith.constant 1 : i32
      %add3A_60 = arith.addi %add3A_58, %add3A_59 : i32
      %lt3A = arith.constant 100 : i32
      %lt3A_61 = arith.cmpi slt, %add3A_60, %lt3A : i32
      %convert_element_type3A_62 = arith.extui %lt3A_61 : i1 to i32
      %cond3A_63 = arith.constant 0 : i32
      %cond3A_64 = arith.cmpi ne, %convert_element_type3A_62, %cond3A_63 : i32
      scf.if %cond3A_64 {
        %dma_wait3A_106 = tpu.memref_slice %arg3[%mul3A_12] : memref<12800000xi32, #tpu.memory_space<hbm>> -> memref<2000xi32, #tpu.memory_space<hbm>>
        %dma_wait3A_107 = tpu.memref_slice %arg3[%mul3A_12] : memref<12800000xi32, #tpu.memory_space<hbm>> -> memref<2000xi32, #tpu.memory_space<hbm>>
        tpu.wait_dma2 semaphore(%arg17 : memref<!tpu.dma_semaphore, #tpu.memory_space<semaphore_mem>>) src(%dma_wait3A_107 : memref<2000xi32, #tpu.memory_space<hbm>>) dst(%arg9 : memref<2000xi32, #tpu.memory_space<vmem>>)
        %dma_start3A_108 = arith.constant 0 : i32
        %dma_start3A_109 = tpu.memref_slice %arg7[%dma_start3A_108] : memref<100352xf32, #tpu.memory_space<vmem_shared>> -> memref<100352xf32, #tpu.memory_space<vmem_shared>>
        tpu.enqueue_indirect_dma source(%dma_start3A_109 : memref<100352xf32, #tpu.memory_space<vmem_shared>>) target(%arg15 : memref<2000xf32, #tpu.memory_space<vmem>>) offsets(%arg9 : memref<2000xi32, #tpu.memory_space<vmem>>) semaphore(%arg23 : memref<!tpu.dma_semaphore, #tpu.memory_space<semaphore_mem>>)
      } else {
      }
      %dma_wait3A_65 = arith.constant 0 : i32
      %dma_wait3A_66 = tpu.memref_slice %arg7[%dma_wait3A_65] : memref<100352xf32, #tpu.memory_space<vmem_shared>> -> memref<100352xf32, #tpu.memory_space<vmem_shared>>
      tpu.wait_indirect_dma semaphore(%arg22 : memref<!tpu.dma_semaphore, #tpu.memory_space<semaphore_mem>>) src(%dma_wait3A_66 : memref<100352xf32, #tpu.memory_space<vmem_shared>>) dst(%arg14 : memref<2000xf32, #tpu.memory_space<vmem>>)
      %dma_wait3A_67 = tpu.memref_slice %arg3[%mul3A_12] : memref<12800000xi32, #tpu.memory_space<hbm>> -> memref<2000xi32, #tpu.memory_space<hbm>>
      %dma_wait3A_68 = tpu.memref_slice %arg3[%mul3A_12] : memref<12800000xi32, #tpu.memory_space<hbm>> -> memref<2000xi32, #tpu.memory_space<hbm>>
      tpu.wait_dma2 semaphore(%arg18 : memref<!tpu.dma_semaphore, #tpu.memory_space<semaphore_mem>>) src(%dma_wait3A_68 : memref<2000xi32, #tpu.memory_space<hbm>>) dst(%arg10 : memref<2000xi32, #tpu.memory_space<vmem>>)
      %dma_wait3A_69 = tpu.memref_slice %arg4[%mul3A_12] : memref<6400000xf32, #tpu.memory_space<hbm>> -> memref<2000xf32, #tpu.memory_space<hbm>>
      %dma_wait3A_70 = tpu.memref_slice %arg4[%mul3A_12] : memref<6400000xf32, #tpu.memory_space<hbm>> -> memref<2000xf32, #tpu.memory_space<hbm>>
      tpu.wait_dma2 semaphore(%arg20 : memref<!tpu.dma_semaphore, #tpu.memory_space<semaphore_mem>>) src(%dma_wait3A_70 : memref<2000xf32, #tpu.memory_space<hbm>>) dst(%arg12 : memref<2000xf32, #tpu.memory_space<vmem>>)
      %parallel_loop3A_71 = arith.constant 0 : i32
      %parallel_loop3A_72 = arith.constant 2000 : i32
      %parallel_loop3A_73 = arith.constant 16 : i32
      scf.for %parallel_loop3A_106 = %parallel_loop3A_71 to %parallel_loop3A_72 step %parallel_loop3A_73  : i32 {
        %parallel_loop3A_107 = arith.index_cast %parallel_loop3A_106 : i32 to index
        %parallel_loop3A_108 = tpu.vector_load %arg14[%parallel_loop3A_107] {strides = array<i32>} : memref<2000xf32, #tpu.memory_space<vmem>>, vector<16xf32>,
        %parallel_loop3A_109 = arith.index_cast %parallel_loop3A_106 : i32 to index
        %parallel_loop3A_110 = tpu.vector_load %arg12[%parallel_loop3A_109] {strides = array<i32>} : memref<2000xf32, #tpu.memory_space<vmem>>, vector<16xf32>,
        %parallel_loop3A_111 = arith.mulf %parallel_loop3A_108, %parallel_loop3A_110 : vector<16xf32>
        %parallel_loop3A_112 = arith.index_cast %parallel_loop3A_106 : i32 to index
        %parallel_loop3A_113 = tpu.vector_load %arg10[%parallel_loop3A_112] {strides = array<i32>} : memref<2000xi32, #tpu.memory_space<vmem>>, vector<16xi32>,
        tpu.vector_store_idx %arg6[%parallel_loop3A_113], %parallel_loop3A_111 {add = true} : memref<100352xf32, #tpu.memory_space<vmem>>[vector<16xi32>], vector<16xf32>,
      } {sc.loop_unroll_factor = 5 : i64, sc.parallel_access}
      %add3A_74 = arith.constant 2 : i32
      %add3A_75 = arith.addi %add3A_58, %add3A_74 : i32
      %lt3A_76 = arith.constant 100 : i32
      %lt3A_77 = arith.cmpi slt, %add3A_75, %lt3A_76 : i32
      %convert_element_type3A_78 = arith.extui %lt3A_77 : i1 to i32
      %cond3A_79 = arith.constant 0 : i32
      %cond3A_80 = arith.cmpi ne, %convert_element_type3A_78, %cond3A_79 : i32
      scf.if %cond3A_80 {
        %add3A_106 = arith.constant 2 : i32
        %add3A_107 = arith.addi %add3A_58, %add3A_106 : i32
        %mul3A_108 = arith.constant 2000 : i32
        %mul3A_109 = arith.muli %add3A_107, %mul3A_108 : i32
        %add3A_110 = arith.addi %mul3A_12, %mul3A_109 : i32
        %dma_start3A_111 = tpu.memref_slice %arg3[%add3A_110] : memref<12800000xi32, #tpu.memory_space<hbm>> -> memref<2000xi32, #tpu.memory_space<hbm>>
        %dma_start3A_112 = tpu.memref_slice %arg3[%add3A_110] : memref<12800000xi32, #tpu.memory_space<hbm>> -> memref<2000xi32, #tpu.memory_space<hbm>>
        tpu.enqueue_dma source(%dma_start3A_112 : memref<2000xi32, #tpu.memory_space<hbm>>) target(%arg8 : memref<2000xi32, #tpu.memory_space<vmem>>) target_semaphore(%arg16 : memref<!tpu.dma_semaphore, #tpu.memory_space<semaphore_mem>>)
        %add3A_113 = arith.constant 6400000 : i32
        %add3A_114 = arith.addi %add3A_113, %mul3A_12 : i32
        %mul3A_115 = arith.constant 2000 : i32
        %mul3A_116 = arith.muli %add3A_107, %mul3A_115 : i32
        %add3A_117 = arith.addi %add3A_114, %mul3A_116 : i32
        %dma_start3A_118 = tpu.memref_slice %arg3[%add3A_117] : memref<12800000xi32, #tpu.memory_space<hbm>> -> memref<2000xi32, #tpu.memory_space<hbm>>
        %dma_start3A_119 = tpu.memref_slice %arg3[%add3A_117] : memref<12800000xi32, #tpu.memory_space<hbm>> -> memref<2000xi32, #tpu.memory_space<hbm>>
        tpu.enqueue_dma source(%dma_start3A_119 : memref<2000xi32, #tpu.memory_space<hbm>>) target(%arg10 : memref<2000xi32, #tpu.memory_space<vmem>>) target_semaphore(%arg18 : memref<!tpu.dma_semaphore, #tpu.memory_space<semaphore_mem>>)
        %mul3A_120 = arith.constant 2000 : i32
        %mul3A_121 = arith.muli %add3A_107, %mul3A_120 : i32
        %add3A_122 = arith.addi %mul3A_12, %mul3A_121 : i32
        %dma_start3A_123 = tpu.memref_slice %arg4[%add3A_122] : memref<6400000xf32, #tpu.memory_space<hbm>> -> memref<2000xf32, #tpu.memory_space<hbm>>
        %dma_start3A_124 = tpu.memref_slice %arg4[%add3A_122] : memref<6400000xf32, #tpu.memory_space<hbm>> -> memref<2000xf32, #tpu.memory_space<hbm>>
        tpu.enqueue_dma source(%dma_start3A_124 : memref<2000xf32, #tpu.memory_space<hbm>>) target(%arg12 : memref<2000xf32, #tpu.memory_space<vmem>>) target_semaphore(%arg20 : memref<!tpu.dma_semaphore, #tpu.memory_space<semaphore_mem>>)
      } else {
      }
      %add3A_81 = arith.constant 1 : i32
      %add3A_82 = arith.addi %add3A_56, %add3A_81 : i32
      %add3A_83 = arith.constant 1 : i32
      %add3A_84 = arith.addi %add3A_82, %add3A_83 : i32
      %lt3A_85 = arith.constant 100 : i32
      %lt3A_86 = arith.cmpi slt, %add3A_84, %lt3A_85 : i32
      %convert_element_type3A_87 = arith.extui %lt3A_86 : i1 to i32
      %cond3A_88 = arith.constant 0 : i32
      %cond3A_89 = arith.cmpi ne, %convert_element_type3A_87, %cond3A_88 : i32
      scf.if %cond3A_89 {
        %dma_wait3A_106 = tpu.memref_slice %arg3[%mul3A_12] : memref<12800000xi32, #tpu.memory_space<hbm>> -> memref<2000xi32, #tpu.memory_space<hbm>>
        %dma_wait3A_107 = tpu.memref_slice %arg3[%mul3A_12] : memref<12800000xi32, #tpu.memory_space<hbm>> -> memref<2000xi32, #tpu.memory_space<hbm>>
        tpu.wait_dma2 semaphore(%arg16 : memref<!tpu.dma_semaphore, #tpu.memory_space<semaphore_mem>>) src(%dma_wait3A_107 : memref<2000xi32, #tpu.memory_space<hbm>>) dst(%arg8 : memref<2000xi32, #tpu.memory_space<vmem>>)
        %dma_start3A_108 = arith.constant 0 : i32
        %dma_start3A_109 = tpu.memref_slice %arg7[%dma_start3A_108] : memref<100352xf32, #tpu.memory_space<vmem_shared>> -> memref<100352xf32, #tpu.memory_space<vmem_shared>>
        tpu.enqueue_indirect_dma source(%dma_start3A_109 : memref<100352xf32, #tpu.memory_space<vmem_shared>>) target(%arg14 : memref<2000xf32, #tpu.memory_space<vmem>>) offsets(%arg8 : memref<2000xi32, #tpu.memory_space<vmem>>) semaphore(%arg22 : memref<!tpu.dma_semaphore, #tpu.memory_space<semaphore_mem>>)
      } else {
      }
      %dma_wait3A_90 = arith.constant 0 : i32
      %dma_wait3A_91 = tpu.memref_slice %arg7[%dma_wait3A_90] : memref<100352xf32, #tpu.memory_space<vmem_shared>> -> memref<100352xf32, #tpu.memory_space<vmem_shared>>
      tpu.wait_indirect_dma semaphore(%arg23 : memref<!tpu.dma_semaphore, #tpu.memory_space<semaphore_mem>>) src(%dma_wait3A_91 : memref<100352xf32, #tpu.memory_space<vmem_shared>>) dst(%arg15 : memref<2000xf32, #tpu.memory_space<vmem>>)
      %dma_wait3A_92 = tpu.memref_slice %arg3[%mul3A_12] : memref<12800000xi32, #tpu.memory_space<hbm>> -> memref<2000xi32, #tpu.memory_space<hbm>>
      %dma_wait3A_93 = tpu.memref_slice %arg3[%mul3A_12] : memref<12800000xi32, #tpu.memory_space<hbm>> -> memref<2000xi32, #tpu.memory_space<hbm>>
      tpu.wait_dma2 semaphore(%arg19 : memref<!tpu.dma_semaphore, #tpu.memory_space<semaphore_mem>>) src(%dma_wait3A_93 : memref<2000xi32, #tpu.memory_space<hbm>>) dst(%arg11 : memref<2000xi32, #tpu.memory_space<vmem>>)
      %dma_wait3A_94 = tpu.memref_slice %arg4[%mul3A_12] : memref<6400000xf32, #tpu.memory_space<hbm>> -> memref<2000xf32, #tpu.memory_space<hbm>>
      %dma_wait3A_95 = tpu.memref_slice %arg4[%mul3A_12] : memref<6400000xf32, #tpu.memory_space<hbm>> -> memref<2000xf32, #tpu.memory_space<hbm>>
      tpu.wait_dma2 semaphore(%arg21 : memref<!tpu.dma_semaphore, #tpu.memory_space<semaphore_mem>>) src(%dma_wait3A_95 : memref<2000xf32, #tpu.memory_space<hbm>>) dst(%arg13 : memref<2000xf32, #tpu.memory_space<vmem>>)
      %parallel_loop3A_96 = arith.constant 0 : i32
      %parallel_loop3A_97 = arith.constant 2000 : i32
      %parallel_loop3A_98 = arith.constant 16 : i32
      scf.for %parallel_loop3A_106 = %parallel_loop3A_96 to %parallel_loop3A_97 step %parallel_loop3A_98  : i32 {
        %parallel_loop3A_107 = arith.index_cast %parallel_loop3A_106 : i32 to index
        %parallel_loop3A_108 = tpu.vector_load %arg15[%parallel_loop3A_107] {strides = array<i32>} : memref<2000xf32, #tpu.memory_space<vmem>>, vector<16xf32>,
        %parallel_loop3A_109 = arith.index_cast %parallel_loop3A_106 : i32 to index
        %parallel_loop3A_110 = tpu.vector_load %arg13[%parallel_loop3A_109] {strides = array<i32>} : memref<2000xf32, #tpu.memory_space<vmem>>, vector<16xf32>,
        %parallel_loop3A_111 = arith.mulf %parallel_loop3A_108, %parallel_loop3A_110 : vector<16xf32>
        %parallel_loop3A_112 = arith.index_cast %parallel_loop3A_106 : i32 to index
        %parallel_loop3A_113 = tpu.vector_load %arg11[%parallel_loop3A_112] {strides = array<i32>} : memref<2000xi32, #tpu.memory_space<vmem>>, vector<16xi32>,
        tpu.vector_store_idx %arg6[%parallel_loop3A_113], %parallel_loop3A_111 {add = true} : memref<100352xf32, #tpu.memory_space<vmem>>[vector<16xi32>], vector<16xf32>,
      } {sc.loop_unroll_factor = 5 : i64, sc.parallel_access}
      %add3A_99 = arith.constant 2 : i32
      %add3A_100 = arith.addi %add3A_82, %add3A_99 : i32
      %lt3A_101 = arith.constant 100 : i32
      %lt3A_102 = arith.cmpi slt, %add3A_100, %lt3A_101 : i32
      %convert_element_type3A_103 = arith.extui %lt3A_102 : i1 to i32
      %cond3A_104 = arith.constant 0 : i32
      %cond3A_105 = arith.cmpi ne, %convert_element_type3A_103, %cond3A_104 : i32
      scf.if %cond3A_105 {
        %add3A_106 = arith.constant 2 : i32
        %add3A_107 = arith.addi %add3A_82, %add3A_106 : i32
        %mul3A_108 = arith.constant 2000 : i32
        %mul3A_109 = arith.muli %add3A_107, %mul3A_108 : i32
        %add3A_110 = arith.addi %mul3A_12, %mul3A_109 : i32
        %dma_start3A_111 = tpu.memref_slice %arg3[%add3A_110] : memref<12800000xi32, #tpu.memory_space<hbm>> -> memref<2000xi32, #tpu.memory_space<hbm>>
        %dma_start3A_112 = tpu.memref_slice %arg3[%add3A_110] : memref<12800000xi32, #tpu.memory_space<hbm>> -> memref<2000xi32, #tpu.memory_space<hbm>>
        tpu.enqueue_dma source(%dma_start3A_112 : memref<2000xi32, #tpu.memory_space<hbm>>) target(%arg9 : memref<2000xi32, #tpu.memory_space<vmem>>) target_semaphore(%arg17 : memref<!tpu.dma_semaphore, #tpu.memory_space<semaphore_mem>>)
        %add3A_113 = arith.constant 6400000 : i32
        %add3A_114 = arith.addi %add3A_113, %mul3A_12 : i32
        %mul3A_115 = arith.constant 2000 : i32
        %mul3A_116 = arith.muli %add3A_107, %mul3A_115 : i32
        %add3A_117 = arith.addi %add3A_114, %mul3A_116 : i32
        %dma_start3A_118 = tpu.memref_slice %arg3[%add3A_117] : memref<12800000xi32, #tpu.memory_space<hbm>> -> memref<2000xi32, #tpu.memory_space<hbm>>
        %dma_start3A_119 = tpu.memref_slice %arg3[%add3A_117] : memref<12800000xi32, #tpu.memory_space<hbm>> -> memref<2000xi32, #tpu.memory_space<hbm>>
        tpu.enqueue_dma source(%dma_start3A_119 : memref<2000xi32, #tpu.memory_space<hbm>>) target(%arg11 : memref<2000xi32, #tpu.memory_space<vmem>>) target_semaphore(%arg19 : memref<!tpu.dma_semaphore, #tpu.memory_space<semaphore_mem>>)
        %mul3A_120 = arith.constant 2000 : i32
        %mul3A_121 = arith.muli %add3A_107, %mul3A_120 : i32
        %add3A_122 = arith.addi %mul3A_12, %mul3A_121 : i32
        %dma_start3A_123 = tpu.memref_slice %arg4[%add3A_122] : memref<6400000xf32, #tpu.memory_space<hbm>> -> memref<2000xf32, #tpu.memory_space<hbm>>
        %dma_start3A_124 = tpu.memref_slice %arg4[%add3A_122] : memref<6400000xf32, #tpu.memory_space<hbm>> -> memref<2000xf32, #tpu.memory_space<hbm>>
        tpu.enqueue_dma source(%dma_start3A_124 : memref<2000xf32, #tpu.memory_space<hbm>>) target(%arg13 : memref<2000xf32, #tpu.memory_space<vmem>>) target_semaphore(%arg21 : memref<!tpu.dma_semaphore, #tpu.memory_space<semaphore_mem>>)
      } else {
      }
    }
    %scan3A_46 = arith.constant 50 : i32
    %mul3A_47 = arith.constant 16 : i32
    %mul3A_48 = arith.muli %arg0, %mul3A_47 : i32
    %add3A_49 = arith.addi %mul3A_48, %arg1 : i32
    %mul3A_50 = arith.constant 100352 : i32
    %mul3A_51 = arith.muli %add3A_49, %mul3A_50 : i32
    "tpu.region"() ({
      %run_scoped3A = tpu.sem_alloc : memref<!tpu.dma_semaphore, #tpu.memory_space<semaphore_mem>>
      %dma_start3A_52 = tpu.memref_slice %arg5[%mul3A_51] : memref<3211264xf32, #tpu.memory_space<hbm>> -> memref<100352xf32, #tpu.memory_space<hbm>>
      %dma_start3A_53 = tpu.memref_slice %arg5[%mul3A_51] : memref<3211264xf32, #tpu.memory_space<hbm>> -> memref<100352xf32, #tpu.memory_space<hbm>>
      tpu.enqueue_dma source(%arg6 : memref<100352xf32, #tpu.memory_space<vmem>>) target(%dma_start3A_53 : memref<100352xf32, #tpu.memory_space<hbm>>) target_semaphore(%run_scoped3A : memref<!tpu.dma_semaphore, #tpu.memory_space<semaphore_mem>>)
      %dma_wait3A_54 = tpu.memref_slice %arg5[%mul3A_51] : memref<3211264xf32, #tpu.memory_space<hbm>> -> memref<100352xf32, #tpu.memory_space<hbm>>
      %dma_wait3A_55 = tpu.memref_slice %arg5[%mul3A_51] : memref<3211264xf32, #tpu.memory_space<hbm>> -> memref<100352xf32, #tpu.memory_space<hbm>>
      tpu.wait_dma2 semaphore(%run_scoped3A : memref<!tpu.dma_semaphore, #tpu.memory_space<semaphore_mem>>) src(%arg6 : memref<100352xf32, #tpu.memory_space<vmem>>) dst(%dma_wait3A_55 : memref<100352xf32, #tpu.memory_space<hbm>>)
      tpu.yield
    }) : () -> ()
    return
  }
}

module attributes {stable_mosaic.version = 14 : i64} {
  func.func @body(%arg0: memref<1x1xf32, #tpu.memory_space<smem>>, %arg1: memref<25088x128xf32, #tpu.memory_space<vmem>>, %arg2: memref<784x128xf32, #tpu.memory_space<vmem>>, %arg3: memref<784x128xf32, #tpu.memory_space<vmem>>) attributes {dimension_semantics = [], scalar_prefetch = 0 : i64, scratch_operands = 0 : i64, tpu.core_type = #tpu.core_type<tc>} {
    %get3A = arith.constant 0 : index
    %get3A_0 = arith.constant 0 : index
    %get3A_1 = vector.load %arg1[%get3A, %get3A_0] : memref<25088x128xf32, #tpu.memory_space<vmem>>, vector<784x128xf32>
    %get3A_2 = arith.constant 784 : index
    %get3A_3 = arith.constant 0 : index
    %get3A_4 = vector.load %arg1[%get3A_2, %get3A_3] : memref<25088x128xf32, #tpu.memory_space<vmem>>, vector<784x128xf32>
    %add3A = arith.addf %get3A_1, %get3A_4 : vector<784x128xf32>
    %get3A_5 = arith.constant 1568 : index
    %get3A_6 = arith.constant 0 : index
    %get3A_7 = vector.load %arg1[%get3A_5, %get3A_6] : memref<25088x128xf32, #tpu.memory_space<vmem>>, vector<784x128xf32>
    %add3A_8 = arith.addf %add3A, %get3A_7 : vector<784x128xf32>
    %get3A_9 = arith.constant 2352 : index
    %get3A_10 = arith.constant 0 : index
    %get3A_11 = vector.load %arg1[%get3A_9, %get3A_10] : memref<25088x128xf32, #tpu.memory_space<vmem>>, vector<784x128xf32>
    %add3A_12 = arith.addf %add3A_8, %get3A_11 : vector<784x128xf32>
    %get3A_13 = arith.constant 3136 : index
    %get3A_14 = arith.constant 0 : index
    %get3A_15 = vector.load %arg1[%get3A_13, %get3A_14] : memref<25088x128xf32, #tpu.memory_space<vmem>>, vector<784x128xf32>
    %add3A_16 = arith.addf %add3A_12, %get3A_15 : vector<784x128xf32>
    %get3A_17 = arith.constant 3920 : index
    %get3A_18 = arith.constant 0 : index
    %get3A_19 = vector.load %arg1[%get3A_17, %get3A_18] : memref<25088x128xf32, #tpu.memory_space<vmem>>, vector<784x128xf32>
    %add3A_20 = arith.addf %add3A_16, %get3A_19 : vector<784x128xf32>
    %get3A_21 = arith.constant 4704 : index
    %get3A_22 = arith.constant 0 : index
    %get3A_23 = vector.load %arg1[%get3A_21, %get3A_22] : memref<25088x128xf32, #tpu.memory_space<vmem>>, vector<784x128xf32>
    %add3A_24 = arith.addf %add3A_20, %get3A_23 : vector<784x128xf32>
    %get3A_25 = arith.constant 5488 : index
    %get3A_26 = arith.constant 0 : index
    %get3A_27 = vector.load %arg1[%get3A_25, %get3A_26] : memref<25088x128xf32, #tpu.memory_space<vmem>>, vector<784x128xf32>
    %add3A_28 = arith.addf %add3A_24, %get3A_27 : vector<784x128xf32>
    %get3A_29 = arith.constant 6272 : index
    %get3A_30 = arith.constant 0 : index
    %get3A_31 = vector.load %arg1[%get3A_29, %get3A_30] : memref<25088x128xf32, #tpu.memory_space<vmem>>, vector<784x128xf32>
    %add3A_32 = arith.addf %add3A_28, %get3A_31 : vector<784x128xf32>
    %get3A_33 = arith.constant 7056 : index
    %get3A_34 = arith.constant 0 : index
    %get3A_35 = vector.load %arg1[%get3A_33, %get3A_34] : memref<25088x128xf32, #tpu.memory_space<vmem>>, vector<784x128xf32>
    %add3A_36 = arith.addf %add3A_32, %get3A_35 : vector<784x128xf32>
    %get3A_37 = arith.constant 7840 : index
    %get3A_38 = arith.constant 0 : index
    %get3A_39 = vector.load %arg1[%get3A_37, %get3A_38] : memref<25088x128xf32, #tpu.memory_space<vmem>>, vector<784x128xf32>
    %add3A_40 = arith.addf %add3A_36, %get3A_39 : vector<784x128xf32>
    %get3A_41 = arith.constant 8624 : index
    %get3A_42 = arith.constant 0 : index
    %get3A_43 = vector.load %arg1[%get3A_41, %get3A_42] : memref<25088x128xf32, #tpu.memory_space<vmem>>, vector<784x128xf32>
    %add3A_44 = arith.addf %add3A_40, %get3A_43 : vector<784x128xf32>
    %get3A_45 = arith.constant 9408 : index
    %get3A_46 = arith.constant 0 : index
    %get3A_47 = vector.load %arg1[%get3A_45, %get3A_46] : memref<25088x128xf32, #tpu.memory_space<vmem>>, vector<784x128xf32>
    %add3A_48 = arith.addf %add3A_44, %get3A_47 : vector<784x128xf32>
    %get3A_49 = arith.constant 10192 : index
    %get3A_50 = arith.constant 0 : index
    %get3A_51 = vector.load %arg1[%get3A_49, %get3A_50] : memref<25088x128xf32, #tpu.memory_space<vmem>>, vector<784x128xf32>
    %add3A_52 = arith.addf %add3A_48, %get3A_51 : vector<784x128xf32>
    %get3A_53 = arith.constant 10976 : index
    %get3A_54 = arith.constant 0 : index
    %get3A_55 = vector.load %arg1[%get3A_53, %get3A_54] : memref<25088x128xf32, #tpu.memory_space<vmem>>, vector<784x128xf32>
    %add3A_56 = arith.addf %add3A_52, %get3A_55 : vector<784x128xf32>
    %get3A_57 = arith.constant 11760 : index
    %get3A_58 = arith.constant 0 : index
    %get3A_59 = vector.load %arg1[%get3A_57, %get3A_58] : memref<25088x128xf32, #tpu.memory_space<vmem>>, vector<784x128xf32>
    %add3A_60 = arith.addf %add3A_56, %get3A_59 : vector<784x128xf32>
    %get3A_61 = arith.constant 12544 : index
    %get3A_62 = arith.constant 0 : index
    %get3A_63 = vector.load %arg1[%get3A_61, %get3A_62] : memref<25088x128xf32, #tpu.memory_space<vmem>>, vector<784x128xf32>
    %add3A_64 = arith.addf %add3A_60, %get3A_63 : vector<784x128xf32>
    %get3A_65 = arith.constant 13328 : index
    %get3A_66 = arith.constant 0 : index
    %get3A_67 = vector.load %arg1[%get3A_65, %get3A_66] : memref<25088x128xf32, #tpu.memory_space<vmem>>, vector<784x128xf32>
    %add3A_68 = arith.addf %add3A_64, %get3A_67 : vector<784x128xf32>
    %get3A_69 = arith.constant 14112 : index
    %get3A_70 = arith.constant 0 : index
    %get3A_71 = vector.load %arg1[%get3A_69, %get3A_70] : memref<25088x128xf32, #tpu.memory_space<vmem>>, vector<784x128xf32>
    %add3A_72 = arith.addf %add3A_68, %get3A_71 : vector<784x128xf32>
    %get3A_73 = arith.constant 14896 : index
    %get3A_74 = arith.constant 0 : index
    %get3A_75 = vector.load %arg1[%get3A_73, %get3A_74] : memref<25088x128xf32, #tpu.memory_space<vmem>>, vector<784x128xf32>
    %add3A_76 = arith.addf %add3A_72, %get3A_75 : vector<784x128xf32>
    %get3A_77 = arith.constant 15680 : index
    %get3A_78 = arith.constant 0 : index
    %get3A_79 = vector.load %arg1[%get3A_77, %get3A_78] : memref<25088x128xf32, #tpu.memory_space<vmem>>, vector<784x128xf32>
    %add3A_80 = arith.addf %add3A_76, %get3A_79 : vector<784x128xf32>
    %get3A_81 = arith.constant 16464 : index
    %get3A_82 = arith.constant 0 : index
    %get3A_83 = vector.load %arg1[%get3A_81, %get3A_82] : memref<25088x128xf32, #tpu.memory_space<vmem>>, vector<784x128xf32>
    %add3A_84 = arith.addf %add3A_80, %get3A_83 : vector<784x128xf32>
    %get3A_85 = arith.constant 17248 : index
    %get3A_86 = arith.constant 0 : index
    %get3A_87 = vector.load %arg1[%get3A_85, %get3A_86] : memref<25088x128xf32, #tpu.memory_space<vmem>>, vector<784x128xf32>
    %add3A_88 = arith.addf %add3A_84, %get3A_87 : vector<784x128xf32>
    %get3A_89 = arith.constant 18032 : index
    %get3A_90 = arith.constant 0 : index
    %get3A_91 = vector.load %arg1[%get3A_89, %get3A_90] : memref<25088x128xf32, #tpu.memory_space<vmem>>, vector<784x128xf32>
    %add3A_92 = arith.addf %add3A_88, %get3A_91 : vector<784x128xf32>
    %get3A_93 = arith.constant 18816 : index
    %get3A_94 = arith.constant 0 : index
    %get3A_95 = vector.load %arg1[%get3A_93, %get3A_94] : memref<25088x128xf32, #tpu.memory_space<vmem>>, vector<784x128xf32>
    %add3A_96 = arith.addf %add3A_92, %get3A_95 : vector<784x128xf32>
    %get3A_97 = arith.constant 19600 : index
    %get3A_98 = arith.constant 0 : index
    %get3A_99 = vector.load %arg1[%get3A_97, %get3A_98] : memref<25088x128xf32, #tpu.memory_space<vmem>>, vector<784x128xf32>
    %add3A_100 = arith.addf %add3A_96, %get3A_99 : vector<784x128xf32>
    %get3A_101 = arith.constant 20384 : index
    %get3A_102 = arith.constant 0 : index
    %get3A_103 = vector.load %arg1[%get3A_101, %get3A_102] : memref<25088x128xf32, #tpu.memory_space<vmem>>, vector<784x128xf32>
    %add3A_104 = arith.addf %add3A_100, %get3A_103 : vector<784x128xf32>
    %get3A_105 = arith.constant 21168 : index
    %get3A_106 = arith.constant 0 : index
    %get3A_107 = vector.load %arg1[%get3A_105, %get3A_106] : memref<25088x128xf32, #tpu.memory_space<vmem>>, vector<784x128xf32>
    %add3A_108 = arith.addf %add3A_104, %get3A_107 : vector<784x128xf32>
    %get3A_109 = arith.constant 21952 : index
    %get3A_110 = arith.constant 0 : index
    %get3A_111 = vector.load %arg1[%get3A_109, %get3A_110] : memref<25088x128xf32, #tpu.memory_space<vmem>>, vector<784x128xf32>
    %add3A_112 = arith.addf %add3A_108, %get3A_111 : vector<784x128xf32>
    %get3A_113 = arith.constant 22736 : index
    %get3A_114 = arith.constant 0 : index
    %get3A_115 = vector.load %arg1[%get3A_113, %get3A_114] : memref<25088x128xf32, #tpu.memory_space<vmem>>, vector<784x128xf32>
    %add3A_116 = arith.addf %add3A_112, %get3A_115 : vector<784x128xf32>
    %get3A_117 = arith.constant 23520 : index
    %get3A_118 = arith.constant 0 : index
    %get3A_119 = vector.load %arg1[%get3A_117, %get3A_118] : memref<25088x128xf32, #tpu.memory_space<vmem>>, vector<784x128xf32>
    %add3A_120 = arith.addf %add3A_116, %get3A_119 : vector<784x128xf32>
    %get3A_121 = arith.constant 24304 : index
    %get3A_122 = arith.constant 0 : index
    %get3A_123 = vector.load %arg1[%get3A_121, %get3A_122] : memref<25088x128xf32, #tpu.memory_space<vmem>>, vector<784x128xf32>
    %add3A_124 = arith.addf %add3A_120, %get3A_123 : vector<784x128xf32>
    %get3A_125 = arith.constant 0 : index
    %get3A_126 = arith.constant 0 : index
    %get3A_127 = vector.load %arg2[%get3A_125, %get3A_126] : memref<784x128xf32, #tpu.memory_space<vmem>>, vector<784x128xf32>
    %mul3A = arith.mulf %add3A_124, %get3A_127 : vector<784x128xf32>
    %get3A_128 = arith.constant 0 : index
    %get3A_129 = arith.constant 0 : index
    %get3A_130 = memref.load %arg0[%get3A_128, %get3A_129] : memref<1x1xf32, #tpu.memory_space<smem>>
    %add3A_131 = vector.broadcast %get3A_130 : f32 to vector<784x128xf32>
    %add3A_132 = arith.addf %mul3A, %add3A_131 : vector<784x128xf32>
    %swap3A = arith.constant 0 : index
    %swap3A_133 = arith.constant 0 : index
    %swap3A_134 = vector.load %arg3[%swap3A, %swap3A_133] : memref<784x128xf32, #tpu.memory_space<vmem>>, vector<784x128xf32>
    tpu.vector_store %arg3[%swap3A, %swap3A_133], %add3A_132 {strides = array<i32>} : memref<784x128xf32, #tpu.memory_space<vmem>>, vector<784x128xf32>,
    return
  }
}

module attributes {stable_mosaic.version = 14 : i64} {
  func.func @body(%arg0: memref<1x2xf32, #tpu.memory_space<smem>>, %arg1: memref<25088x128xf32, #tpu.memory_space<vmem>>, %arg2: memref<784x128xf32, #tpu.memory_space<vmem>>, %arg3: memref<784x128xf32, #tpu.memory_space<vmem>>, %arg4: memref<784x128xf32, #tpu.memory_space<vmem>>, %arg5: memref<784x128xf32, #tpu.memory_space<vmem>>) attributes {dimension_semantics = [], scalar_prefetch = 0 : i64, scratch_operands = 0 : i64, tpu.core_type = #tpu.core_type<tc>} {
    %get3A = arith.constant 0 : index
    %get3A_0 = arith.constant 0 : index
    %get3A_1 = vector.load %arg1[%get3A, %get3A_0] : memref<25088x128xf32, #tpu.memory_space<vmem>>, vector<784x128xf32>
    %get3A_2 = arith.constant 784 : index
    %get3A_3 = arith.constant 0 : index
    %get3A_4 = vector.load %arg1[%get3A_2, %get3A_3] : memref<25088x128xf32, #tpu.memory_space<vmem>>, vector<784x128xf32>
    %add3A = arith.addf %get3A_1, %get3A_4 : vector<784x128xf32>
    %get3A_5 = arith.constant 1568 : index
    %get3A_6 = arith.constant 0 : index
    %get3A_7 = vector.load %arg1[%get3A_5, %get3A_6] : memref<25088x128xf32, #tpu.memory_space<vmem>>, vector<784x128xf32>
    %add3A_8 = arith.addf %add3A, %get3A_7 : vector<784x128xf32>
    %get3A_9 = arith.constant 2352 : index
    %get3A_10 = arith.constant 0 : index
    %get3A_11 = vector.load %arg1[%get3A_9, %get3A_10] : memref<25088x128xf32, #tpu.memory_space<vmem>>, vector<784x128xf32>
    %add3A_12 = arith.addf %add3A_8, %get3A_11 : vector<784x128xf32>
    %get3A_13 = arith.constant 3136 : index
    %get3A_14 = arith.constant 0 : index
    %get3A_15 = vector.load %arg1[%get3A_13, %get3A_14] : memref<25088x128xf32, #tpu.memory_space<vmem>>, vector<784x128xf32>
    %add3A_16 = arith.addf %add3A_12, %get3A_15 : vector<784x128xf32>
    %get3A_17 = arith.constant 3920 : index
    %get3A_18 = arith.constant 0 : index
    %get3A_19 = vector.load %arg1[%get3A_17, %get3A_18] : memref<25088x128xf32, #tpu.memory_space<vmem>>, vector<784x128xf32>
    %add3A_20 = arith.addf %add3A_16, %get3A_19 : vector<784x128xf32>
    %get3A_21 = arith.constant 4704 : index
    %get3A_22 = arith.constant 0 : index
    %get3A_23 = vector.load %arg1[%get3A_21, %get3A_22] : memref<25088x128xf32, #tpu.memory_space<vmem>>, vector<784x128xf32>
    %add3A_24 = arith.addf %add3A_20, %get3A_23 : vector<784x128xf32>
    %get3A_25 = arith.constant 5488 : index
    %get3A_26 = arith.constant 0 : index
    %get3A_27 = vector.load %arg1[%get3A_25, %get3A_26] : memref<25088x128xf32, #tpu.memory_space<vmem>>, vector<784x128xf32>
    %add3A_28 = arith.addf %add3A_24, %get3A_27 : vector<784x128xf32>
    %get3A_29 = arith.constant 6272 : index
    %get3A_30 = arith.constant 0 : index
    %get3A_31 = vector.load %arg1[%get3A_29, %get3A_30] : memref<25088x128xf32, #tpu.memory_space<vmem>>, vector<784x128xf32>
    %add3A_32 = arith.addf %add3A_28, %get3A_31 : vector<784x128xf32>
    %get3A_33 = arith.constant 7056 : index
    %get3A_34 = arith.constant 0 : index
    %get3A_35 = vector.load %arg1[%get3A_33, %get3A_34] : memref<25088x128xf32, #tpu.memory_space<vmem>>, vector<784x128xf32>
    %add3A_36 = arith.addf %add3A_32, %get3A_35 : vector<784x128xf32>
    %get3A_37 = arith.constant 7840 : index
    %get3A_38 = arith.constant 0 : index
    %get3A_39 = vector.load %arg1[%get3A_37, %get3A_38] : memref<25088x128xf32, #tpu.memory_space<vmem>>, vector<784x128xf32>
    %add3A_40 = arith.addf %add3A_36, %get3A_39 : vector<784x128xf32>
    %get3A_41 = arith.constant 8624 : index
    %get3A_42 = arith.constant 0 : index
    %get3A_43 = vector.load %arg1[%get3A_41, %get3A_42] : memref<25088x128xf32, #tpu.memory_space<vmem>>, vector<784x128xf32>
    %add3A_44 = arith.addf %add3A_40, %get3A_43 : vector<784x128xf32>
    %get3A_45 = arith.constant 9408 : index
    %get3A_46 = arith.constant 0 : index
    %get3A_47 = vector.load %arg1[%get3A_45, %get3A_46] : memref<25088x128xf32, #tpu.memory_space<vmem>>, vector<784x128xf32>
    %add3A_48 = arith.addf %add3A_44, %get3A_47 : vector<784x128xf32>
    %get3A_49 = arith.constant 10192 : index
    %get3A_50 = arith.constant 0 : index
    %get3A_51 = vector.load %arg1[%get3A_49, %get3A_50] : memref<25088x128xf32, #tpu.memory_space<vmem>>, vector<784x128xf32>
    %add3A_52 = arith.addf %add3A_48, %get3A_51 : vector<784x128xf32>
    %get3A_53 = arith.constant 10976 : index
    %get3A_54 = arith.constant 0 : index
    %get3A_55 = vector.load %arg1[%get3A_53, %get3A_54] : memref<25088x128xf32, #tpu.memory_space<vmem>>, vector<784x128xf32>
    %add3A_56 = arith.addf %add3A_52, %get3A_55 : vector<784x128xf32>
    %get3A_57 = arith.constant 11760 : index
    %get3A_58 = arith.constant 0 : index
    %get3A_59 = vector.load %arg1[%get3A_57, %get3A_58] : memref<25088x128xf32, #tpu.memory_space<vmem>>, vector<784x128xf32>
    %add3A_60 = arith.addf %add3A_56, %get3A_59 : vector<784x128xf32>
    %get3A_61 = arith.constant 12544 : index
    %get3A_62 = arith.constant 0 : index
    %get3A_63 = vector.load %arg1[%get3A_61, %get3A_62] : memref<25088x128xf32, #tpu.memory_space<vmem>>, vector<784x128xf32>
    %get3A_64 = arith.constant 13328 : index
    %get3A_65 = arith.constant 0 : index
    %get3A_66 = vector.load %arg1[%get3A_64, %get3A_65] : memref<25088x128xf32, #tpu.memory_space<vmem>>, vector<784x128xf32>
    %add3A_67 = arith.addf %get3A_63, %get3A_66 : vector<784x128xf32>
    %get3A_68 = arith.constant 14112 : index
    %get3A_69 = arith.constant 0 : index
    %get3A_70 = vector.load %arg1[%get3A_68, %get3A_69] : memref<25088x128xf32, #tpu.memory_space<vmem>>, vector<784x128xf32>
    %add3A_71 = arith.addf %add3A_67, %get3A_70 : vector<784x128xf32>
    %get3A_72 = arith.constant 14896 : index
    %get3A_73 = arith.constant 0 : index
    %get3A_74 = vector.load %arg1[%get3A_72, %get3A_73] : memref<25088x128xf32, #tpu.memory_space<vmem>>, vector<784x128xf32>
    %add3A_75 = arith.addf %add3A_71, %get3A_74 : vector<784x128xf32>
    %get3A_76 = arith.constant 15680 : index
    %get3A_77 = arith.constant 0 : index
    %get3A_78 = vector.load %arg1[%get3A_76, %get3A_77] : memref<25088x128xf32, #tpu.memory_space<vmem>>, vector<784x128xf32>
    %add3A_79 = arith.addf %add3A_75, %get3A_78 : vector<784x128xf32>
    %get3A_80 = arith.constant 16464 : index
    %get3A_81 = arith.constant 0 : index
    %get3A_82 = vector.load %arg1[%get3A_80, %get3A_81] : memref<25088x128xf32, #tpu.memory_space<vmem>>, vector<784x128xf32>
    %add3A_83 = arith.addf %add3A_79, %get3A_82 : vector<784x128xf32>
    %get3A_84 = arith.constant 17248 : index
    %get3A_85 = arith.constant 0 : index
    %get3A_86 = vector.load %arg1[%get3A_84, %get3A_85] : memref<25088x128xf32, #tpu.memory_space<vmem>>, vector<784x128xf32>
    %add3A_87 = arith.addf %add3A_83, %get3A_86 : vector<784x128xf32>
    %get3A_88 = arith.constant 18032 : index
    %get3A_89 = arith.constant 0 : index
    %get3A_90 = vector.load %arg1[%get3A_88, %get3A_89] : memref<25088x128xf32, #tpu.memory_space<vmem>>, vector<784x128xf32>
    %add3A_91 = arith.addf %add3A_87, %get3A_90 : vector<784x128xf32>
    %get3A_92 = arith.constant 18816 : index
    %get3A_93 = arith.constant 0 : index
    %get3A_94 = vector.load %arg1[%get3A_92, %get3A_93] : memref<25088x128xf32, #tpu.memory_space<vmem>>, vector<784x128xf32>
    %add3A_95 = arith.addf %add3A_91, %get3A_94 : vector<784x128xf32>
    %get3A_96 = arith.constant 19600 : index
    %get3A_97 = arith.constant 0 : index
    %get3A_98 = vector.load %arg1[%get3A_96, %get3A_97] : memref<25088x128xf32, #tpu.memory_space<vmem>>, vector<784x128xf32>
    %add3A_99 = arith.addf %add3A_95, %get3A_98 : vector<784x128xf32>
    %get3A_100 = arith.constant 20384 : index
    %get3A_101 = arith.constant 0 : index
    %get3A_102 = vector.load %arg1[%get3A_100, %get3A_101] : memref<25088x128xf32, #tpu.memory_space<vmem>>, vector<784x128xf32>
    %add3A_103 = arith.addf %add3A_99, %get3A_102 : vector<784x128xf32>
    %get3A_104 = arith.constant 21168 : index
    %get3A_105 = arith.constant 0 : index
    %get3A_106 = vector.load %arg1[%get3A_104, %get3A_105] : memref<25088x128xf32, #tpu.memory_space<vmem>>, vector<784x128xf32>
    %add3A_107 = arith.addf %add3A_103, %get3A_106 : vector<784x128xf32>
    %get3A_108 = arith.constant 21952 : index
    %get3A_109 = arith.constant 0 : index
    %get3A_110 = vector.load %arg1[%get3A_108, %get3A_109] : memref<25088x128xf32, #tpu.memory_space<vmem>>, vector<784x128xf32>
    %add3A_111 = arith.addf %add3A_107, %get3A_110 : vector<784x128xf32>
    %get3A_112 = arith.constant 22736 : index
    %get3A_113 = arith.constant 0 : index
    %get3A_114 = vector.load %arg1[%get3A_112, %get3A_113] : memref<25088x128xf32, #tpu.memory_space<vmem>>, vector<784x128xf32>
    %add3A_115 = arith.addf %add3A_111, %get3A_114 : vector<784x128xf32>
    %get3A_116 = arith.constant 23520 : index
    %get3A_117 = arith.constant 0 : index
    %get3A_118 = vector.load %arg1[%get3A_116, %get3A_117] : memref<25088x128xf32, #tpu.memory_space<vmem>>, vector<784x128xf32>
    %add3A_119 = arith.addf %add3A_115, %get3A_118 : vector<784x128xf32>
    %get3A_120 = arith.constant 24304 : index
    %get3A_121 = arith.constant 0 : index
    %get3A_122 = vector.load %arg1[%get3A_120, %get3A_121] : memref<25088x128xf32, #tpu.memory_space<vmem>>, vector<784x128xf32>
    %add3A_123 = arith.addf %add3A_119, %get3A_122 : vector<784x128xf32>
    %max3A = arith.constant 1.000000e+00 : f32
    %max3A_124 = vector.broadcast %max3A : f32 to vector<784x128xf32>
    %max3A_125 = arith.maximumf %add3A_60, %max3A_124 : vector<784x128xf32>
    %max3A_126 = arith.constant 1.000000e+00 : f32
    %max3A_127 = vector.broadcast %max3A_126 : f32 to vector<784x128xf32>
    %max3A_128 = arith.maximumf %add3A_123, %max3A_127 : vector<784x128xf32>
    %get3A_129 = arith.constant 0 : index
    %get3A_130 = arith.constant 0 : index
    %get3A_131 = vector.load %arg2[%get3A_129, %get3A_130] : memref<784x128xf32, #tpu.memory_space<vmem>>, vector<784x128xf32>
    %get3A_132 = arith.constant 0 : index
    %get3A_133 = arith.constant 0 : index
    %get3A_134 = memref.load %arg0[%get3A_132, %get3A_133] : memref<1x2xf32, #tpu.memory_space<smem>>
    %mul3A = vector.broadcast %get3A_134 : f32 to vector<784x128xf32>
    %mul3A_135 = arith.mulf %get3A_131, %mul3A : vector<784x128xf32>
    %get3A_136 = arith.constant 0 : index
    %get3A_137 = arith.constant 0 : index
    %get3A_138 = vector.load %arg3[%get3A_136, %get3A_137] : memref<784x128xf32, #tpu.memory_space<vmem>>, vector<784x128xf32>
    %get3A_139 = arith.constant 0 : index
    %get3A_140 = arith.constant 1 : index
    %get3A_141 = memref.load %arg0[%get3A_139, %get3A_140] : memref<1x2xf32, #tpu.memory_space<smem>>
    %mul3A_142 = vector.broadcast %get3A_141 : f32 to vector<784x128xf32>
    %mul3A_143 = arith.mulf %get3A_138, %mul3A_142 : vector<784x128xf32>
    %add3A_144 = arith.addf %mul3A_135, %mul3A_143 : vector<784x128xf32>
    %rsqrt3A = math.rsqrt %max3A_125 : vector<784x128xf32>
    %mul3A_145 = arith.constant 5.000000e-01 : f32
    %mul3A_146 = vector.broadcast %mul3A_145 : f32 to vector<784x128xf32>
    %mul3A_147 = arith.mulf %mul3A_146, %max3A_125 : vector<784x128xf32>
    %mul3A_148 = arith.mulf %mul3A_147, %rsqrt3A : vector<784x128xf32>
    %mul3A_149 = arith.mulf %mul3A_148, %rsqrt3A : vector<784x128xf32>
    %sub3A = arith.constant 1.500000e+00 : f32
    %sub3A_150 = vector.broadcast %sub3A : f32 to vector<784x128xf32>
    %sub3A_151 = arith.subf %sub3A_150, %mul3A_149 : vector<784x128xf32>
    %mul3A_152 = arith.mulf %rsqrt3A, %sub3A_151 : vector<784x128xf32>
    %mul3A_153 = arith.constant 5.000000e-01 : f32
    %mul3A_154 = vector.broadcast %mul3A_153 : f32 to vector<784x128xf32>
    %mul3A_155 = arith.mulf %mul3A_154, %max3A_125 : vector<784x128xf32>
    %mul3A_156 = arith.mulf %mul3A_155, %mul3A_152 : vector<784x128xf32>
    %mul3A_157 = arith.mulf %mul3A_156, %mul3A_152 : vector<784x128xf32>
    %sub3A_158 = arith.constant 1.500000e+00 : f32
    %sub3A_159 = vector.broadcast %sub3A_158 : f32 to vector<784x128xf32>
    %sub3A_160 = arith.subf %sub3A_159, %mul3A_157 : vector<784x128xf32>
    %mul3A_161 = arith.mulf %mul3A_152, %sub3A_160 : vector<784x128xf32>
    %mul3A_162 = arith.mulf %add3A_144, %mul3A_161 : vector<784x128xf32>
    %swap3A = arith.constant 0 : index
    %swap3A_163 = arith.constant 0 : index
    %swap3A_164 = vector.load %arg4[%swap3A, %swap3A_163] : memref<784x128xf32, #tpu.memory_space<vmem>>, vector<784x128xf32>
    tpu.vector_store %arg4[%swap3A, %swap3A_163], %mul3A_162 {strides = array<i32>} : memref<784x128xf32, #tpu.memory_space<vmem>>, vector<784x128xf32>,
    %rsqrt3A_165 = math.rsqrt %max3A_128 : vector<784x128xf32>
    %mul3A_166 = arith.constant 5.000000e-01 : f32
    %mul3A_167 = vector.broadcast %mul3A_166 : f32 to vector<784x128xf32>
    %mul3A_168 = arith.mulf %mul3A_167, %max3A_128 : vector<784x128xf32>
    %mul3A_169 = arith.mulf %mul3A_168, %rsqrt3A_165 : vector<784x128xf32>
    %mul3A_170 = arith.mulf %mul3A_169, %rsqrt3A_165 : vector<784x128xf32>
    %sub3A_171 = arith.constant 1.500000e+00 : f32
    %sub3A_172 = vector.broadcast %sub3A_171 : f32 to vector<784x128xf32>
    %sub3A_173 = arith.subf %sub3A_172, %mul3A_170 : vector<784x128xf32>
    %mul3A_174 = arith.mulf %rsqrt3A_165, %sub3A_173 : vector<784x128xf32>
    %mul3A_175 = arith.constant 5.000000e-01 : f32
    %mul3A_176 = vector.broadcast %mul3A_175 : f32 to vector<784x128xf32>
    %mul3A_177 = arith.mulf %mul3A_176, %max3A_128 : vector<784x128xf32>
    %mul3A_178 = arith.mulf %mul3A_177, %mul3A_174 : vector<784x128xf32>
    %mul3A_179 = arith.mulf %mul3A_178, %mul3A_174 : vector<784x128xf32>
    %sub3A_180 = arith.constant 1.500000e+00 : f32
    %sub3A_181 = vector.broadcast %sub3A_180 : f32 to vector<784x128xf32>
    %sub3A_182 = arith.subf %sub3A_181, %mul3A_179 : vector<784x128xf32>
    %mul3A_183 = arith.mulf %mul3A_174, %sub3A_182 : vector<784x128xf32>
    %swap3A_184 = arith.constant 0 : index
    %swap3A_185 = arith.constant 0 : index
    %swap3A_186 = vector.load %arg5[%swap3A_184, %swap3A_185] : memref<784x128xf32, #tpu.memory_space<vmem>>, vector<784x128xf32>
    tpu.vector_store %arg5[%swap3A_184, %swap3A_185], %mul3A_183 {strides = array<i32>} : memref<784x128xf32, #tpu.memory_space<vmem>>, vector<784x128xf32>,
    return
  }
}

</mosaic_0001>

<sc_bundles>
// kernel: kernel.6.cloned.1.call-start
scs
__scs_entry_jumppad:
0x0: {  	(pc) =	sbr.rel $0x88, $3  }
0x1: {  	(tag) =	ssettag $0x0;
	lr =	simm.s32 $0x1  }
0x2: {  	[smem:$0x3F9C] =	sst lr;
	_ =	strace $0xD0000000  }
0x3: {  	_ = 	snop  }
0x4: {  	_ = 	snop  }
0x5: {  	_ = 	snop  }
0x6: {  	_ = 	snop  }
0x7: {  	_ = 	snop  }
__scs_overlays_trampoline_lowered:
0x8: {  	[smem:$0x3FAB] =	sst s0  }
0x9: {  	[smem:$0x3FAC] =	sst s1  }
0xa: {  	[smem:$0x3FAD] =	sst s2  }
0xb: {  	[smem:$0x3FAE] =	sst s3  }
0xc: {  	[smem:$0x3FAF] =	sst s4  }
0xd: {  	[smem:$0x3FB0] =	sst s5  }
0xe: {  	[smem:$0x3FB1] =	sst s6  }
0xf: {  	[smem:$0x3FB2] =	sst s7  }
0x10: {  	[smem:$0x3FB3] =	sst s8  }
0x11: {  	[smem:$0x3FB4] =	sst s9;
	s0 =	simm.s32 @!p0 $0x0  }
0x12: {  	s1 =	sld [smem:$0x3F9A];
	s0 =	simm.s32 @p0 $0x1  }
0x13: {  	[smem:$0x3FB5] =	sst s0;
	s0 =	simm.s32 @!p1 $0x0  }
0x14: {  	s2 =	sld [smem:$0x3F99];
	s0 =	simm.s32 @p1 $0x1  }
0x15: {  	[smem:$0x3FB6] =	sst s0;
	s0 =	simm.s32 @!p2 $0x0  }
0x16: {  	s3 =	sld [smem:$0x3FDB];
	s0 =	simm.s32 @p2 $0x1  }
0x17: {  	s4 =	simm.s32 $0x1BF5;
	[smem:$0x3FB8] =	sst s0  }
0x18: {  	s0 =	sld [smem:$0x3F9B];
	_ =	swait.ge [sflag:s4], $0x0  }
0x19: {  	s7 =	sld [smem:$0x3F9C]  }
0x1a: {  	s8 =	sadd.s32 $0xFFFFE003, lr  }
0x1b: {  	s9 =	sadd.s32 $0xFFFFFEF7, lr;
	s5 =	simm.s32 $0xFFFFFFFF;
	p2 =	slt.u32 s8, $0xFFFFF086  }
0x1c: {  	p1 =	slt.u32 s9, $0xF7A;
	s5 =	simm.s32 @!p2 $0x0  }
0x1d: {  	s5 =	simm.s32 @p1 $0x1;
	p0 =	seq.s32 s7, s2  }
0x1e: {  	s7 =	smul.u32 @!p0 $0xF7A, s2;
	p2 =	seq.s32 @!p0 s5, $0x0  }
0x1f: {  	s9 =	smul.u32 $0xF7A, s1;
	s8 =	simm.s32 @!p0 $0x1BF5;
	p2 =	por !p2, p0  }
0x20: {  	[sflag:s8] =	ssyncset.s32 @!p0 $0xFFFFF086;
	s6 =	sadd.s32 @!p0 s3, s7;
	s7 =	simm.s32 @!p0 $0x108  }
0x21: {  	s3 =	sadd.s32 s3, s9;
	s6 =	sadd.s32 @!p0 $0x88, s6;
	s7 =	simm.s32 @p2 $0x1082  }
0x22: {  	[simem:s7], [sflag:s8] =	dma.local @!p0 [hbm:s6], $0xF7A  }
0x23: {  	s9 =	sor.u32 $0xD0000000, s2;
	s6 =	simm.s32 $0x108;
	_ =	swait.ge @!p0 [sflag:s8], $0x0  }
0x24: {  	s3 =	sadd.s32 $0x88, s3;
	s6 =	simm.s32 @!p1 $0x1082;
	[sflag:s4] =	ssyncset.s32 $0xFFFFF086  }
0x25: {  	[simem:s6], [sflag:s4] =	dma.local [hbm:s3], $0xF7A  }
0x26: {  	[smem:$0x3F9C] =	sst s1;
	(tag) =	ssettag s2;
	_ =	strace s9  }
0x27: {  	s1 =	sld [smem:$0x3FAC]  }
0x28: {  	s2 =	sld [smem:$0x3FAD]  }
0x29: {  	s4 =	sld [smem:$0x3FAF]  }
0x2a: {  	p0 =	seq.s32 s5, $0x0;
	s5 =	sld [smem:$0x3FB0]  }
0x2b: {  	s6 =	sld [smem:$0x3FB1]  }
0x2c: {  	s7 =	sld [smem:$0x3FB2]  }
0x2d: {  	s3 =	simm.s32 $0x108;
	s8 =	sld [smem:$0x3FB3]  }
0x2e: {  	s3 =	simm.s32 @!p0 $0x1082;
	s9 =	sld [smem:$0x3FB4]  }
0x2f: {  	lr =	sadd.s32 s0, s3;
	s0 =	sld [smem:$0x3FAB]  }
0x30: {  	s3 =	sld [smem:$0x3FAE]  }
0x31: {  	[smem:$0x3FB7] =	sst s10  }
0x32: {  	s10 =	sld [smem:$0x3FB5];
	_ =	sdelay $0x3  }
0x33: {  	p0 =	seq.s32 s10, $0x1;
	s10 =	sld [smem:$0x3FB7];
	_ =	sdelay $0x3  }
0x34: {  	[smem:$0x3FB7] =	sst s10  }
0x35: {  	s10 =	sld [smem:$0x3FB6];
	_ =	sdelay $0x3  }
0x36: {  	p1 =	seq.s32 s10, $0x1;
	s10 =	sld [smem:$0x3FB7];
	_ =	sdelay $0x3  }
0x37: {  	[smem:$0x3FB7] =	sst s10  }
0x38: {  	s10 =	sld [smem:$0x3FB8]  }
0x39: {  	_ = 	snop;
	(pc) =	sbr.ind lr, $3  }
0x3a: {  	_ = 	snop  }
0x3b: {  	_ = 	snop  }
0x3c: {  	p2 =	seq.s32 s10, $0x1;
	s10 =	sld [smem:$0x3FB7]  }
0x3d: {  	_ =	shalt  }
0x3e: {  	_ =	shalt  }
0x3f: {  	_ =	shalt  }
0x40: {  	_ =	shalt  }
0x41: {  	_ =	shalt  }
0x42: {  	_ =	shalt  }
0x43: {  	_ =	shalt  }
0x44: {  	_ =	shalt  }
0x45: {  	_ =	shalt  }
0x46: {  	_ =	shalt  }
0x47: {  	_ =	shalt  }
0x48: {  	_ =	shalt  }
0x49: {  	_ =	shalt  }
0x4a: {  	_ =	shalt  }
0x4b: {  	_ =	shalt  }
0x4c: {  	_ =	shalt  }
0x4d: {  	_ =	shalt  }
0x4e: {  	_ =	shalt  }
0x4f: {  	_ =	shalt  }
0x50: {  	_ =	shalt  }
0x51: {  	_ =	shalt  }
0x52: {  	_ =	shalt  }
0x53: {  	_ =	shalt  }
0x54: {  	_ =	shalt  }
0x55: {  	_ =	shalt  }
0x56: {  	_ =	shalt  }
0x57: {  	_ =	shalt  }
0x58: {  	_ =	shalt  }
0x59: {  	_ =	shalt  }
0x5a: {  	_ =	shalt  }
0x5b: {  	_ =	shalt  }
0x5c: {  	_ =	shalt  }
0x5d: {  	_ =	shalt  }
0x5e: {  	_ =	shalt  }
0x5f: {  	_ =	shalt  }
0x60: {  	_ =	shalt  }
0x61: {  	_ =	shalt  }
0x62: {  	_ =	shalt  }
0x63: {  	_ =	shalt  }
0x64: {  	_ =	shalt  }
0x65: {  	_ =	shalt  }
0x66: {  	_ =	shalt  }
0x67: {  	_ =	shalt  }
0x68: {  	_ =	shalt  }
0x69: {  	_ =	shalt  }
0x6a: {  	_ =	shalt  }
0x6b: {  	_ =	shalt  }
0x6c: {  	_ =	shalt  }
0x6d: {  	_ =	shalt  }
0x6e: {  	_ =	shalt  }
0x6f: {  	_ =	shalt  }
0x70: {  	_ =	shalt  }
0x71: {  	_ =	shalt  }
0x72: {  	_ =	shalt  }
0x73: {  	_ =	shalt  }
0x74: {  	_ =	shalt  }
0x75: {  	_ =	shalt  }
0x76: {  	_ =	shalt  }
0x77: {  	_ =	shalt  }
0x78: {  	_ =	shalt  }
0x79: {  	_ =	shalt  }
0x7a: {  	_ =	shalt  }
0x7b: {  	_ =	shalt  }
0x7c: {  	_ =	shalt  }
0x7d: {  	_ =	shalt  }
0x7e: {  	_ =	shalt  }
0x7f: {  	_ =	shalt  }
0x80: {  	_ =	shalt  }
0x81: {  	_ =	shalt  }
0x82: {  	_ =	shalt  }
0x83: {  	_ =	shalt  }
0x84: {  	_ =	shalt  }
0x85: {  	_ =	shalt  }
0x86: {  	_ =	shalt  }
0x87: {  	_ =	shalt  }
.Lfunc_end0:
.L_simem_size_0:
called_computation.1_lowered:
.L_overlay_start_0:
0x88: {  	s2 =	sld [smem:$0x3FD9]  }
0x89: {  	s3 =	sld [smem:$0x3FFE];
	_ =	sdelay $0x1  }
0x8a: {  	s1 =	srdreg.scid  }
0x8b: {  	s0 =	sand.u32 $0x1, s1  }
0x8c: {  	s16 =	sshll.u32 s0, $0xA;
	s2 =	sadd.s32 s3, s2  }
0x8d: {  	s2 =	sadd.s32 s2, s16  }
0x8e: {  	[smem:$0x3FC3] =	sst s2  }
0x8f: {  	_ = 	snop  }
0x90: {  	(tm) =	ssettm $0x1  }
0x91: {  	s17 =	sld [smem:$0x3FFB];
	_ =	sdelay $0x3  }
0x92: {  	_ =	strace s17  }
0x93: {  	s2 =	sld [smem:$0x3FFC];
	_ =	sdelay $0x3  }
0x94: {  	_ =	strace s2  }
0x95: {  	s2 =	sld [smem:$0x3FFD];
	_ =	sdelay $0x3  }
0x96: {  	_ =	strace s2  }
0x97: {  	_ =	strace $0x8FFFFFFF  }
0x98: {  	s18 =	sld [smem:$0x3FDB];
	_ =	sdelay $0x1  }
0x99: {  	s19 =	simm.s32 $_scs_section_size  }
0x9a: {  	s4 =	simm.s32 $_size__tile_overlayer_lowered;
	s5 =	simm.s32 $_tile_overlayer_lowered  }
0x9b: {  	s22 =	simm.s32 $0x1BFF;
	s21 =	sshll.u32 s5, $0x1;
	s2 =	sadd.s32 s19, s18  }
0x9c: {  	s6 =	simm.s32 $0x0;
	s20 =	sshll.u32 s4, $0x1;
	s4 =	sadd.s32 s21, s2  }
0x9d: {  	[timem:s6], [sflag:s22] =	dma.local [hbm:s4], s20  }
0x9e: {  	_ =	swait.ge [sflag:s22], s20  }
0x9f: {  	s3 =	ssub.s32 $0x0, s20;
	[sflag:s22] =	ssyncset.done $0x0  }
0xa0: {  	[sflag:s22] =	ssyncadd.s32 s3;
	_ =	sdelay $0x1  }
0xa1: {  	s23 =	simm.s32 $0x1B8B  }
0xa2: {  	_ =	swait.ge [sflag:s23], $0x1  }
0xa3: {  	[sflag:s23] =	ssyncset.done $0x0  }
0xa4: {  	s25 =	simm.s32 $0x1B8E;
	s24 =	sld [smem:$0x3FFE];
	[sflag:s23] =	ssyncadd.s32 $0xFFFFFFFF  }
0xa5: {  	s26 =	simm.s32 $execute0_lowered;
	[smem:$0x3FD2] =	sst s25  }
0xa6: {  	s4 =	sshll.u32 s26, $0x1;
	_ =	strace $0x80000049;
	[dreg:$0x1] =	wrdreg $0xFFFFFFFF  }
0xa7: {  	s28 =	simm.s32 $_size_execute0_lowered;
	s2 =	sadd.s32 s2, s4;
	[dreg:$0x0] =	wrdreg $0x0  }
0xa8: {  	s4 =	sshll.u32 s28, $0x1;
	[dreg:$0x2] =	wrdreg s2  }
0xa9: {  	[dreg:$0x3] =	wrdreg s4  }
0xaa: {  	[dreg:$0x4] =	wrdreg $0xC0  }
0xab: {  	_ =	task [dreg:s6], $0x5FFFF  }
0xac: {  	[dreg:$0x1] =	wrdreg $0xFFFFFFFF  }
0xad: {  	[dreg:$0x0] =	wrdreg $0x60  }
0xae: {  	[dreg:$0x2] =	wrdreg s24  }
0xaf: {  	[dreg:$0x3] =	wrdreg $0x9  }
0xb0: {  	_ =	task.clear_ibuf [dreg:s6], $0x4FFFF;
	_ =	strace $0x90000049  }
0xb1: {  	s29 =	simm.s32 $0x9;
	_ =	strace $0x8000004B  }
0xb2: {  	_ =	swait.ge [sflag:s29], $0x1  }
0xb3: {  	[sflag:s29] =	ssyncadd.s32 $0xFFFFFFFF  }
0xb4: {  	_ =	strace $0x9000004B  }
0xb5: {  	_ =	sfence  }
0xb6: {  	s30 =	sld [smem:$0x0];
	_ =	sdelay $0x2  }
0xb7: {  	s31 =	sshll.u32 s1, $0xD;
	s1 =	sshrl.u32 s1, $0x2  }
0xb8: {  	s3 =	sand.u32 $0x4000, s31;
	s1 =	sadd.s32 s1, s30  }
0xb9: {  	s0 =	sor.u32 s3, s0;
	s1 =	sshll.u32 s1, $0x11  }
0xba: {  	s0 =	sor.u32 s1, s0  }
0xbb: {  	s0 =	sadd.s32 $0x8F2B, s0  }
0xbc: {  	[sflag:s0] =	ssyncadd.remote.s32 $0x1  }
0xbd: {  	_ =	sfence.sel $0xFFFF  }
0xbe: {  	[dreg:$0x0] =	wrdreg $0xFFFFFFFF;
	(pc) =	sbr.abs _section_cstart, $3  }
0xbf: {  	[dreg:$0x1] =	wrdreg $0xFFFFFFFF  }
0xc0: {  	_ =	task.clear_ibuf [dreg:s6], $0x2FFFF;
	_ =	strace $0x9FFFFFFF  }
0xc1: {  	(tm) =	ssettm $0x7FFFFFFF  }
tec
execute0_lowered:
.L_overlay_start_1:
0x0: {  	(tag) =	ssettag $0x1  }
0x1: {  	s4 =	rddreg [dreg:$0x0]  }
0x2: {  	s1 =	srdreg.scid;
	s0 =	rddreg [dreg:$0x1]  }
0x3: {  	s2 =	simm.s32 $0x0;
	s11 =	simm.s32 $0x1AF80;
	s12 =	simm.s32 $0x1  }
0x4: {  	s13 =	simm.s32 $0x2;
	s14 =	simm.s32 $0x3;
	s5 =	sand.u32 $0x1, s1  }
0x5: {  	s1 =	stileid.u32;
	s3 =	smul.u32 $0x61A800, s5;
	s6 =	sshll.u32 s5, $0x4  }
0x6: {  	[smem:$0x7FF] =	sst s2;
	s7 =	smul.u32 $0x61A80, s1;
	s6 =	sor.u32 s1, s6  }
0x7: {  	s15 =	simm.s32 $0x0;
	_ =	strace $0x8000004A;
	s6 =	smul.u32 $0x3100, s6  }
.Ltmp0:
0x8: {  	s5 =	ssub.s32 $0x2, s5;
	s7 =	sadd.s32 s7, s3;
	(pc) =	sbr.rel .LBB2_1-.Ltmp0, $4  }
0x9: {  	s31 =	sshrl.u32 s5, $0x1;
	s3 =	sadd.s32 $0x1200, s4;
	s8 =	sshrl.u32 s7, $0x3  }
0xa: {  	s10 =	ssub.s32 s5, s31;
	s9 =	sadd.s32 s6, s4;
	s4 =	sadd.s32 s3, s8  }
0xb: {  	s6 =	sadd.s32 $0x4E20, s7;
	s7 =	sadd.s32 $0x7530, s7;
	s5 =	sadd.s32 $0x4E2, s4  }
0xc: {  	v0 =	vimm.f32 $0.0e+00;
	v1 =	vimm.f32 $1.000000000e+00;
	s8 =	sadd.s32 $0x187C00, s9;
	s9 =	smax.u32 s10, $0x1;
	s10 =	simm.s32 $0x18800  }
.LBB2_14:
0xd: {  	s15 =	sadd.s32 $0x1, s15  }
0xe: {  	p0 =	sne.s32 s15, s9  }
.Ltmp1:
0xf: {  	_ = 	snop;
	(pc) =	sbr.rel @!p0 .LBB2_15-.Ltmp1, $4  }
0x10: {  	[hbm4b:s8+s2] =	stream.linear.scatter [tilespmem:s2], [sflag:$0x3], $0x18800, $0x38;
	[tilespmem:$0x1D700] =	vst v63  }
0x11: {  	_ =	swait.ge [sflag:s14], $0x18800  }
0x12: {  	[sflag:s14] =	ssyncset.done $0x0  }
0x13: {  	[sflag:s14] =	ssyncadd.s32 $0xFFFE7800  }
.LBB2_1:
0x14: {  	s16 =	simm.s32 $0x40  }
0x15: {  	[tilespmem:s16+$0xFFFFFFC0] =	vst v0  }
0x16: {  	[tilespmem:s16+$0x30] =	vst v0  }
0x17: {  	[tilespmem:s16+$0x20] =	vst v0  }
0x18: {  	[tilespmem:s16+$0x10] =	vst v0  }
0x19: {  	[tilespmem:s16+$0x0] =	vst v0  }
0x1a: {  	[tilespmem:s16+$0xFFFFFFF0] =	vst v0  }
0x1b: {  	s17 =	simm.s32 $0x0;
	[tilespmem:s16+$0xFFFFFFE0] =	vst v0  }
.LBB2_2:
0x1c: {  	s17 =	sadd.s32 $0x80, s17;
	[tilespmem:s16+$0xFFFFFFD0] =	vst v0;
	s16 =	sadd.s32 $0x80, s16  }
0x1d: {  	[tilespmem:s16+$0xFFFFFFC0] =	vst v0;
	p0 =	slt.u32 s17, $0x18780  }
0x1e: {  	[tilespmem:s16+$0x30] =	vst v0  }
.Ltmp2:
0x1f: {  	[tilespmem:s16+$0x20] =	vst v0;
	(pc) =	sbr.rel @p0 .LBB2_2-.Ltmp2, $4  }
0x20: {  	[tilespmem:s16+$0x10] =	vst v0  }
0x21: {  	[tilespmem:s16+$0x0] =	vst v0  }
0x22: {  	[tilespmem:s16+$0xFFFFFFF0] =	vst v0  }
0x23: {  	[tilespmem:s16+$0xFFFFFFE0] =	vst v0  }
0x24: {  	[tilespmem:s16+$0xFFFFFFD0] =	vst v0;
	s16 =	simm.s32 $0x0  }
0x25: {  	[tilespmem:s10], [sflag:$0x1] =	stream.linear.gather [hbm4b:s4+s16], $0x2710, $0x38;
	[tilespmem:$0x1D700] =	vst v63  }
0x26: {  	_ = 	snop  }
0x27: {  	[tilespmem:s11], [sflag:$0x2] =	stream.linear.gather [hbm4b:s5+s16], $0x2710, $0x38;
	[tilespmem:$0x1D700] =	vst v63  }
.LBB2_4:
0x28: {  	_ =	swait.ge [sflag:s12], $0x2710  }
0x29: {  	s17 =	simm.s32 $0x0;
	[sflag:s12] =	ssyncset.done $0x0  }
0x2a: {  	s17 =	sand.u32 $0x3FC0, s17;
	[sflag:s12] =	ssyncadd.s32 $0xFFFFD8F0  }
0x2b: {  	s18 =	simm.s32 $0x140;
	v4 =	vld [tilespmem:s17+$0x18900]  }
0x2c: {  	s19 =	sand.u32 $0x3FC0, s18;
	v2 =	vld [tilespmem:s17+$0x18880]  }
0x2d: {  	v3 =	vld [tilespmem:s19+$0x18900];
	s17 =	simm.s32 $0x188A0  }
0x2e: {  	v5 =	vld [tilespmem:s17+$0xFFFFFF60]  }
0x2f: {  	v6 =	vld [tilespmem:s17+$0xFFFFFF70]  }
0x30: {  	v7 =	vld [tilespmem:s17+$0xFFFFFF80]  }
0x31: {  	v8 =	vld [tilespmem:s17+$0xFFFFFF90]  }
0x32: {  	v9 =	vld [tilespmem:s17+$0xFFFFFFA0]  }
0x33: {  	v10 =	vld [tilespmem:s17+$0xFFFFFFB0]  }
0x34: {  	v11 =	vld [tilespmem:s17+$0xFFFFFFC0]  }
0x35: {  	v12 =	vld [tilespmem:s17+$0xFFFFFFF0]  }
0x36: {  	v13 =	vld [tilespmem:s17+$0x0]  }
0x37: {  	v14 =	vld [tilespmem:s17+$0x10]  }
0x38: {  	v15 =	vld [tilespmem:s17+$0x20]  }
0x39: {  	v16 =	vld [tilespmem:s17+$0x30]  }
0x3a: {  	v17 =	vld [tilespmem:s17+$0x40]  }
0x3b: {  	v18 =	vld [tilespmem:s17+$0x50]  }
0x3c: {  	v19 =	vld [tilespmem:s17+$0x70]  }
0x3d: {  	v20 =	vld [tilespmem:s17+$0x80]  }
0x3e: {  	[tilespmem:v4+s2+$0x0] =	vst.idx.add.f32.msk $0xffff, v1  }
0x3f: {  	v4 =	vld [tilespmem:s17+$0x90]  }
0x40: {  	[tilespmem:v5+s2+$0x0] =	vst.idx.add.f32.msk $0xffff, v1  }
0x41: {  	[tilespmem:v6+s2+$0x0] =	vst.idx.add.f32.msk $0xffff, v1  }
0x42: {  	[tilespmem:v7+s2+$0x0] =	vst.idx.add.f32.msk $0xffff, v1  }
0x43: {  	[tilespmem:v8+s2+$0x0] =	vst.idx.add.f32.msk $0xffff, v1  }
0x44: {  	[tilespmem:v9+s2+$0x0] =	vst.idx.add.f32.msk $0xffff, v1  }
0x45: {  	[tilespmem:v10+s2+$0x0] =	vst.idx.add.f32.msk $0xffff, v1  }
0x46: {  	[tilespmem:v11+s2+$0x0] =	vst.idx.add.f32.msk $0xffff, v1  }
0x47: {  	[tilespmem:v12+s2+$0x0] =	vst.idx.add.f32.msk $0xffff, v1  }
0x48: {  	[tilespmem:v13+s2+$0x0] =	vst.idx.add.f32.msk $0xffff, v1  }
0x49: {  	[tilespmem:v4+s2+$0x0] =	vst.idx.add.f32.msk $0xffff, v1  }
0x4a: {  	v4 =	vld [tilespmem:s17+$0xFFFFFFD0]  }
0x4b: {  	[tilespmem:v14+s2+$0x0] =	vst.idx.add.f32.msk $0xffff, v1  }
0x4c: {  	[tilespmem:v15+s2+$0x0] =	vst.idx.add.f32.msk $0xffff, v1  }
0x4d: {  	[tilespmem:v16+s2+$0x0] =	vst.idx.add.f32.msk $0xffff, v1  }
0x4e: {  	[tilespmem:v17+s2+$0x0] =	vst.idx.add.f32.msk $0xffff, v1  }
0x4f: {  	[tilespmem:v18+s2+$0x0] =	vst.idx.add.f32.msk $0xffff, v1  }
0x50: {  	[tilespmem:v19+s2+$0x0] =	vst.idx.add.f32.msk $0xffff, v1  }
0x51: {  	[tilespmem:v20+s2+$0x0] =	vst.idx.add.f32.msk $0xffff, v1  }
0x52: {  	[tilespmem:v4+s2+$0x0] =	vst.idx.add.f32.msk $0xffff, v1  }
.LBB2_5:
0x53: {  	s18 =	sadd.s32 $0x140, s18;
	v4 =	vld [tilespmem:s19+$0x18880]  }
0x54: {  	s19 =	sand.u32 $0x3FC0, s18;
	[tilespmem:v2+s2+$0x0] =	vst.idx.add.f32.msk $0xffff, v1  }
0x55: {  	p0 =	slt.u32 s18, $0x2580;
	v5 =	vld [tilespmem:s19+$0x18900]  }
0x56: {  	s17 =	sadd.s32 $0x140, s17;
	[tilespmem:v3+s2+$0x0] =	vst.idx.add.f32.msk $0xffff, v1  }
0x57: {  	v6 =	vld [tilespmem:s17+$0x90]  }
0x58: {  	v7 =	vld [tilespmem:s17+$0xFFFFFF60];
	v2 =	vmov v4  }
0x59: {  	v4 =	vld [tilespmem:s17+$0xFFFFFF70]  }
0x5a: {  	v8 =	vld [tilespmem:s17+$0xFFFFFF80];
	v3 =	vmov v5  }
0x5b: {  	v5 =	vld [tilespmem:s17+$0xFFFFFF90]  }
0x5c: {  	v9 =	vld [tilespmem:s17+$0xFFFFFFA0]  }
0x5d: {  	v10 =	vld [tilespmem:s17+$0xFFFFFFB0]  }
0x5e: {  	v11 =	vld [tilespmem:s17+$0xFFFFFFC0]  }
0x5f: {  	[tilespmem:v6+s2+$0x0] =	vst.idx.add.f32.msk $0xffff, v1  }
0x60: {  	v6 =	vld [tilespmem:s17+$0xFFFFFFD0]  }
0x61: {  	v12 =	vld [tilespmem:s17+$0xFFFFFFF0]  }
0x62: {  	v13 =	vld [tilespmem:s17+$0x0]  }
0x63: {  	v14 =	vld [tilespmem:s17+$0x10]  }
0x64: {  	v15 =	vld [tilespmem:s17+$0x20]  }
0x65: {  	v16 =	vld [tilespmem:s17+$0x30]  }
0x66: {  	v17 =	vld [tilespmem:s17+$0x40]  }
0x67: {  	v18 =	vld [tilespmem:s17+$0x50]  }
0x68: {  	v19 =	vld [tilespmem:s17+$0x70]  }
0x69: {  	v20 =	vld [tilespmem:s17+$0x80]  }
0x6a: {  	[tilespmem:v7+s2+$0x0] =	vst.idx.add.f32.msk $0xffff, v1  }
0x6b: {  	[tilespmem:v4+s2+$0x0] =	vst.idx.add.f32.msk $0xffff, v1  }
0x6c: {  	[tilespmem:v8+s2+$0x0] =	vst.idx.add.f32.msk $0xffff, v1  }
0x6d: {  	[tilespmem:v5+s2+$0x0] =	vst.idx.add.f32.msk $0xffff, v1  }
0x6e: {  	[tilespmem:v9+s2+$0x0] =	vst.idx.add.f32.msk $0xffff, v1  }
0x6f: {  	[tilespmem:v10+s2+$0x0] =	vst.idx.add.f32.msk $0xffff, v1  }
0x70: {  	[tilespmem:v11+s2+$0x0] =	vst.idx.add.f32.msk $0xffff, v1  }
0x71: {  	[tilespmem:v6+s2+$0x0] =	vst.idx.add.f32.msk $0xffff, v1  }
0x72: {  	[tilespmem:v12+s2+$0x0] =	vst.idx.add.f32.msk $0xffff, v1  }
0x73: {  	[tilespmem:v13+s2+$0x0] =	vst.idx.add.f32.msk $0xffff, v1  }
0x74: {  	[tilespmem:v14+s2+$0x0] =	vst.idx.add.f32.msk $0xffff, v1  }
0x75: {  	[tilespmem:v15+s2+$0x0] =	vst.idx.add.f32.msk $0xffff, v1  }
.Ltmp3:
0x76: {  	[tilespmem:v16+s2+$0x0] =	vst.idx.add.f32.msk $0xffff, v1;
	(pc) =	sbr.rel @p0 .LBB2_5-.Ltmp3, $4  }
0x77: {  	[tilespmem:v17+s2+$0x0] =	vst.idx.add.f32.msk $0xffff, v1  }
0x78: {  	[tilespmem:v18+s2+$0x0] =	vst.idx.add.f32.msk $0xffff, v1  }
0x79: {  	[tilespmem:v19+s2+$0x0] =	vst.idx.add.f32.msk $0xffff, v1  }
0x7a: {  	[tilespmem:v20+s2+$0x0] =	vst.idx.add.f32.msk $0xffff, v1  }
0x7b: {  	_ =	sdelay $0x2  }
0x7c: {  	v4 =	vld [tilespmem:s19+$0x18880]  }
0x7d: {  	[tilespmem:v2+s2+$0x0] =	vst.idx.add.f32.msk $0xffff, v1  }
0x7e: {  	[tilespmem:v3+s2+$0x0] =	vst.idx.add.f32.msk $0xffff, v1;
	s17 =	sadd.s32 $0x140, s17  }
0x7f: {  	v2 =	vld [tilespmem:s17+$0x90]  }
0x80: {  	v3 =	vld [tilespmem:s17+$0xFFFFFF60]  }
0x81: {  	v5 =	vld [tilespmem:s17+$0xFFFFFF70]  }
0x82: {  	v6 =	vld [tilespmem:s17+$0xFFFFFF80]  }
0x83: {  	v7 =	vld [tilespmem:s17+$0xFFFFFF90]  }
0x84: {  	v8 =	vld [tilespmem:s17+$0xFFFFFFA0]  }
0x85: {  	v9 =	vld [tilespmem:s17+$0xFFFFFFB0]  }
0x86: {  	v10 =	vld [tilespmem:s17+$0xFFFFFFC0]  }
0x87: {  	v11 =	vld [tilespmem:s17+$0xFFFFFFF0]  }
0x88: {  	v12 =	vld [tilespmem:s17+$0x0]  }
0x89: {  	v13 =	vld [tilespmem:s17+$0x10]  }
0x8a: {  	v14 =	vld [tilespmem:s17+$0x20]  }
0x8b: {  	v15 =	vld [tilespmem:s17+$0x30]  }
0x8c: {  	v16 =	vld [tilespmem:s17+$0x40]  }
0x8d: {  	v17 =	vld [tilespmem:s17+$0x50]  }
0x8e: {  	v18 =	vld [tilespmem:s17+$0x70]  }
0x8f: {  	v19 =	vld [tilespmem:s17+$0x80]  }
0x90: {  	[tilespmem:v4+s2+$0x0] =	vst.idx.add.f32.msk $0xffff, v1  }
0x91: {  	[tilespmem:v2+s2+$0x0] =	vst.idx.add.f32.msk $0xffff, v1  }
0x92: {  	v2 =	vld [tilespmem:s17+$0xFFFFFFD0]  }
0x93: {  	[tilespmem:v3+s2+$0x0] =	vst.idx.add.f32.msk $0xffff, v1  }
0x94: {  	[tilespmem:v5+s2+$0x0] =	vst.idx.add.f32.msk $0xffff, v1  }
0x95: {  	[tilespmem:v6+s2+$0x0] =	vst.idx.add.f32.msk $0xffff, v1  }
0x96: {  	[tilespmem:v7+s2+$0x0] =	vst.idx.add.f32.msk $0xffff, v1  }
0x97: {  	[tilespmem:v8+s2+$0x0] =	vst.idx.add.f32.msk $0xffff, v1  }
0x98: {  	[tilespmem:v9+s2+$0x0] =	vst.idx.add.f32.msk $0xffff, v1  }
0x99: {  	[tilespmem:v10+s2+$0x0] =	vst.idx.add.f32.msk $0xffff, v1  }
0x9a: {  	[tilespmem:v11+s2+$0x0] =	vst.idx.add.f32.msk $0xffff, v1  }
0x9b: {  	[tilespmem:v12+s2+$0x0] =	vst.idx.add.f32.msk $0xffff, v1  }
0x9c: {  	[tilespmem:v13+s2+$0x0] =	vst.idx.add.f32.msk $0xffff, v1  }
0x9d: {  	[tilespmem:v14+s2+$0x0] =	vst.idx.add.f32.msk $0xffff, v1  }
0x9e: {  	[tilespmem:v15+s2+$0x0] =	vst.idx.add.f32.msk $0xffff, v1  }
0x9f: {  	[tilespmem:v16+s2+$0x0] =	vst.idx.add.f32.msk $0xffff, v1  }
0xa0: {  	[tilespmem:v17+s2+$0x0] =	vst.idx.add.f32.msk $0xffff, v1  }
0xa1: {  	[tilespmem:v18+s2+$0x0] =	vst.idx.add.f32.msk $0xffff, v1  }
0xa2: {  	[tilespmem:v19+s2+$0x0] =	vst.idx.add.f32.msk $0xffff, v1  }
0xa3: {  	s18 =	simm.s32 $0x1AEC0;
	s17 =	simm.s32 $0x26B0;
	[tilespmem:v2+s2+$0x0] =	vst.idx.add.f32.msk $0xffff, v1  }
.LBB2_7:
0xa4: {  	v2 =	vld [tilespmem:s18+$0x0];
	_ =	sdelay $0x1  }
0xa5: {  	s17 =	sadd.s32 $0x10, s17  }
0xa6: {  	p0 =	slt.u32 s17, $0x2700  }
.Ltmp4:
0xa7: {  	_ = 	snop;
	(pc) =	sbr.rel @p0 .LBB2_7-.Ltmp4, $2  }
0xa8: {  	_ =	sdelay $0x2  }
0xa9: {  	s18 =	sadd.s32 $0x10, s18;
	[tilespmem:v2+s2+$0x0] =	vst.idx.add.f32.msk $0xffff, v1  }
0xaa: {  	p0 =	seq.s32 s16, $0x13  }
0xab: {  	s17 =	smul.u32 @!p0 $0x4E20, s16;
	_ =	sdelay $0x1  }
0xac: {  	s17 =	sadd.s32 @!p0 s17, s6  }
0xad: {  	s17 =	sshrl.u32 @!p0 s17, $0x3  }
0xae: {  	s18 =	simm.s32 @!p0 $0x0;
	s19 =	simm.s32 @!p0 $0x18800;
	s17 =	sadd.s32 @!p0 s3, s17  }
0xaf: {  	[tilespmem:s19], [sflag:$0x1] =	stream.linear.gather @!p0 [hbm4b:s17+s18], $0x2710, $0x38;
	[tilespmem:$0x1D700] =	vst v63  }
0xb0: {  	_ =	swait.ge [sflag:s13], $0x2710  }
0xb1: {  	s31 =	simm.s32 $0x0;
	[sflag:s13] =	ssyncset.done $0x0  }
0xb2: {  	s17 =	sand.u32 $0x3FC0, s31;
	[sflag:s13] =	ssyncadd.s32 $0xFFFFD8F0  }
0xb3: {  	s18 =	simm.s32 $0x140;
	v4 =	vld [tilespmem:s17+$0x1B080]  }
0xb4: {  	s19 =	sand.u32 $0x3FC0, s18;
	v2 =	vld [tilespmem:s17+$0x1B000]  }
0xb5: {  	v3 =	vld [tilespmem:s19+$0x1B080];
	s17 =	simm.s32 $0x1B020  }
0xb6: {  	v5 =	vld [tilespmem:s17+$0xFFFFFF60]  }
0xb7: {  	v6 =	vld [tilespmem:s17+$0xFFFFFF70]  }
0xb8: {  	v7 =	vld [tilespmem:s17+$0xFFFFFF80]  }
0xb9: {  	v8 =	vld [tilespmem:s17+$0xFFFFFF90]  }
0xba: {  	v9 =	vld [tilespmem:s17+$0xFFFFFFA0]  }
0xbb: {  	v10 =	vld [tilespmem:s17+$0xFFFFFFB0]  }
0xbc: {  	v11 =	vld [tilespmem:s17+$0xFFFFFFC0]  }
0xbd: {  	v12 =	vld [tilespmem:s17+$0xFFFFFFF0]  }
0xbe: {  	v13 =	vld [tilespmem:s17+$0x0]  }
0xbf: {  	v14 =	vld [tilespmem:s17+$0x10]  }
0xc0: {  	v15 =	vld [tilespmem:s17+$0x20]  }
0xc1: {  	v16 =	vld [tilespmem:s17+$0x30]  }
0xc2: {  	v17 =	vld [tilespmem:s17+$0x40]  }
0xc3: {  	v18 =	vld [tilespmem:s17+$0x50]  }
0xc4: {  	v19 =	vld [tilespmem:s17+$0x70]  }
0xc5: {  	v20 =	vld [tilespmem:s17+$0x80]  }
0xc6: {  	[tilespmem:v4+s2+$0x0] =	vst.idx.add.f32.msk $0xffff, v1  }
0xc7: {  	v4 =	vld [tilespmem:s17+$0x90]  }
0xc8: {  	[tilespmem:v5+s2+$0x0] =	vst.idx.add.f32.msk $0xffff, v1  }
0xc9: {  	[tilespmem:v6+s2+$0x0] =	vst.idx.add.f32.msk $0xffff, v1  }
0xca: {  	[tilespmem:v7+s2+$0x0] =	vst.idx.add.f32.msk $0xffff, v1  }
0xcb: {  	[tilespmem:v8+s2+$0x0] =	vst.idx.add.f32.msk $0xffff, v1  }
0xcc: {  	[tilespmem:v9+s2+$0x0] =	vst.idx.add.f32.msk $0xffff, v1  }
0xcd: {  	[tilespmem:v10+s2+$0x0] =	vst.idx.add.f32.msk $0xffff, v1  }
0xce: {  	[tilespmem:v11+s2+$0x0] =	vst.idx.add.f32.msk $0xffff, v1  }
0xcf: {  	[tilespmem:v12+s2+$0x0] =	vst.idx.add.f32.msk $0xffff, v1  }
0xd0: {  	[tilespmem:v13+s2+$0x0] =	vst.idx.add.f32.msk $0xffff, v1  }
0xd1: {  	[tilespmem:v4+s2+$0x0] =	vst.idx.add.f32.msk $0xffff, v1  }
0xd2: {  	v4 =	vld [tilespmem:s17+$0xFFFFFFD0]  }
0xd3: {  	[tilespmem:v14+s2+$0x0] =	vst.idx.add.f32.msk $0xffff, v1  }
0xd4: {  	[tilespmem:v15+s2+$0x0] =	vst.idx.add.f32.msk $0xffff, v1  }
0xd5: {  	[tilespmem:v16+s2+$0x0] =	vst.idx.add.f32.msk $0xffff, v1  }
0xd6: {  	[tilespmem:v17+s2+$0x0] =	vst.idx.add.f32.msk $0xffff, v1  }
0xd7: {  	[tilespmem:v18+s2+$0x0] =	vst.idx.add.f32.msk $0xffff, v1  }
0xd8: {  	[tilespmem:v19+s2+$0x0] =	vst.idx.add.f32.msk $0xffff, v1  }
0xd9: {  	[tilespmem:v20+s2+$0x0] =	vst.idx.add.f32.msk $0xffff, v1  }
0xda: {  	[tilespmem:v4+s2+$0x0] =	vst.idx.add.f32.msk $0xffff, v1  }
.LBB2_9:
0xdb: {  	s18 =	sadd.s32 $0x140, s18;
	v4 =	vld [tilespmem:s19+$0x1B000]  }
0xdc: {  	s19 =	sand.u32 $0x3FC0, s18;
	[tilespmem:v2+s2+$0x0] =	vst.idx.add.f32.msk $0xffff, v1  }
0xdd: {  	p1 =	slt.u32 s18, $0x2580;
	v5 =	vld [tilespmem:s19+$0x1B080]  }
0xde: {  	s17 =	sadd.s32 $0x140, s17;
	[tilespmem:v3+s2+$0x0] =	vst.idx.add.f32.msk $0xffff, v1  }
0xdf: {  	v6 =	vld [tilespmem:s17+$0x90]  }
0xe0: {  	v7 =	vld [tilespmem:s17+$0xFFFFFF60];
	v2 =	vmov v4  }
0xe1: {  	v4 =	vld [tilespmem:s17+$0xFFFFFF70]  }
0xe2: {  	v8 =	vld [tilespmem:s17+$0xFFFFFF80];
	v3 =	vmov v5  }
0xe3: {  	v5 =	vld [tilespmem:s17+$0xFFFFFF90]  }
0xe4: {  	v9 =	vld [tilespmem:s17+$0xFFFFFFA0]  }
0xe5: {  	v10 =	vld [tilespmem:s17+$0xFFFFFFB0]  }
0xe6: {  	v11 =	vld [tilespmem:s17+$0xFFFFFFC0]  }
0xe7: {  	[tilespmem:v6+s2+$0x0] =	vst.idx.add.f32.msk $0xffff, v1  }
0xe8: {  	v6 =	vld [tilespmem:s17+$0xFFFFFFD0]  }
0xe9: {  	v12 =	vld [tilespmem:s17+$0xFFFFFFF0]  }
0xea: {  	v13 =	vld [tilespmem:s17+$0x0]  }
0xeb: {  	v14 =	vld [tilespmem:s17+$0x10]  }
0xec: {  	v15 =	vld [tilespmem:s17+$0x20]  }
0xed: {  	v16 =	vld [tilespmem:s17+$0x30]  }
0xee: {  	v17 =	vld [tilespmem:s17+$0x40]  }
0xef: {  	v18 =	vld [tilespmem:s17+$0x50]  }
0xf0: {  	v19 =	vld [tilespmem:s17+$0x70]  }
0xf1: {  	v20 =	vld [tilespmem:s17+$0x80]  }
0xf2: {  	[tilespmem:v7+s2+$0x0] =	vst.idx.add.f32.msk $0xffff, v1  }
0xf3: {  	[tilespmem:v4+s2+$0x0] =	vst.idx.add.f32.msk $0xffff, v1  }
0xf4: {  	[tilespmem:v8+s2+$0x0] =	vst.idx.add.f32.msk $0xffff, v1  }
0xf5: {  	[tilespmem:v5+s2+$0x0] =	vst.idx.add.f32.msk $0xffff, v1  }
0xf6: {  	[tilespmem:v9+s2+$0x0] =	vst.idx.add.f32.msk $0xffff, v1  }
0xf7: {  	[tilespmem:v10+s2+$0x0] =	vst.idx.add.f32.msk $0xffff, v1  }
0xf8: {  	[tilespmem:v11+s2+$0x0] =	vst.idx.add.f32.msk $0xffff, v1  }
0xf9: {  	[tilespmem:v6+s2+$0x0] =	vst.idx.add.f32.msk $0xffff, v1  }
0xfa: {  	[tilespmem:v12+s2+$0x0] =	vst.idx.add.f32.msk $0xffff, v1  }
0xfb: {  	[tilespmem:v13+s2+$0x0] =	vst.idx.add.f32.msk $0xffff, v1  }
0xfc: {  	[tilespmem:v14+s2+$0x0] =	vst.idx.add.f32.msk $0xffff, v1  }
0xfd: {  	[tilespmem:v15+s2+$0x0] =	vst.idx.add.f32.msk $0xffff, v1  }
.Ltmp5:
0xfe: {  	[tilespmem:v16+s2+$0x0] =	vst.idx.add.f32.msk $0xffff, v1;
	(pc) =	sbr.rel @p1 .LBB2_9-.Ltmp5, $4  }
0xff: {  	[tilespmem:v17+s2+$0x0] =	vst.idx.add.f32.msk $0xffff, v1  }
0x100: {  	[tilespmem:v18+s2+$0x0] =	vst.idx.add.f32.msk $0xffff, v1  }
0x101: {  	[tilespmem:v19+s2+$0x0] =	vst.idx.add.f32.msk $0xffff, v1  }
0x102: {  	[tilespmem:v20+s2+$0x0] =	vst.idx.add.f32.msk $0xffff, v1  }
0x103: {  	_ =	sdelay $0x2  }
0x104: {  	v4 =	vld [tilespmem:s19+$0x1B000]  }
0x105: {  	[tilespmem:v2+s2+$0x0] =	vst.idx.add.f32.msk $0xffff, v1  }
0x106: {  	[tilespmem:v3+s2+$0x0] =	vst.idx.add.f32.msk $0xffff, v1;
	s17 =	sadd.s32 $0x140, s17  }
0x107: {  	v2 =	vld [tilespmem:s17+$0x90]  }
0x108: {  	v3 =	vld [tilespmem:s17+$0xFFFFFF60]  }
0x109: {  	v5 =	vld [tilespmem:s17+$0xFFFFFF70]  }
0x10a: {  	v6 =	vld [tilespmem:s17+$0xFFFFFF80]  }
0x10b: {  	v7 =	vld [tilespmem:s17+$0xFFFFFF90]  }
0x10c: {  	v8 =	vld [tilespmem:s17+$0xFFFFFFA0]  }
0x10d: {  	v9 =	vld [tilespmem:s17+$0xFFFFFFB0]  }
0x10e: {  	v10 =	vld [tilespmem:s17+$0xFFFFFFC0]  }
0x10f: {  	v11 =	vld [tilespmem:s17+$0xFFFFFFF0]  }
0x110: {  	v12 =	vld [tilespmem:s17+$0x0]  }
0x111: {  	v13 =	vld [tilespmem:s17+$0x10]  }
0x112: {  	v14 =	vld [tilespmem:s17+$0x20]  }
0x113: {  	v15 =	vld [tilespmem:s17+$0x30]  }
0x114: {  	v16 =	vld [tilespmem:s17+$0x40]  }
0x115: {  	v17 =	vld [tilespmem:s17+$0x50]  }
0x116: {  	v18 =	vld [tilespmem:s17+$0x70]  }
0x117: {  	v19 =	vld [tilespmem:s17+$0x80]  }
0x118: {  	[tilespmem:v4+s2+$0x0] =	vst.idx.add.f32.msk $0xffff, v1  }
0x119: {  	[tilespmem:v2+s2+$0x0] =	vst.idx.add.f32.msk $0xffff, v1  }
0x11a: {  	v2 =	vld [tilespmem:s17+$0xFFFFFFD0]  }
0x11b: {  	[tilespmem:v3+s2+$0x0] =	vst.idx.add.f32.msk $0xffff, v1  }
0x11c: {  	[tilespmem:v5+s2+$0x0] =	vst.idx.add.f32.msk $0xffff, v1  }
0x11d: {  	[tilespmem:v6+s2+$0x0] =	vst.idx.add.f32.msk $0xffff, v1  }
0x11e: {  	[tilespmem:v7+s2+$0x0] =	vst.idx.add.f32.msk $0xffff, v1  }
0x11f: {  	[tilespmem:v8+s2+$0x0] =	vst.idx.add.f32.msk $0xffff, v1  }
0x120: {  	[tilespmem:v9+s2+$0x0] =	vst.idx.add.f32.msk $0xffff, v1  }
0x121: {  	[tilespmem:v10+s2+$0x0] =	vst.idx.add.f32.msk $0xffff, v1  }
0x122: {  	[tilespmem:v11+s2+$0x0] =	vst.idx.add.f32.msk $0xffff, v1  }
0x123: {  	[tilespmem:v12+s2+$0x0] =	vst.idx.add.f32.msk $0xffff, v1  }
0x124: {  	[tilespmem:v13+s2+$0x0] =	vst.idx.add.f32.msk $0xffff, v1  }
0x125: {  	[tilespmem:v14+s2+$0x0] =	vst.idx.add.f32.msk $0xffff, v1  }
0x126: {  	[tilespmem:v15+s2+$0x0] =	vst.idx.add.f32.msk $0xffff, v1  }
0x127: {  	[tilespmem:v16+s2+$0x0] =	vst.idx.add.f32.msk $0xffff, v1  }
0x128: {  	[tilespmem:v17+s2+$0x0] =	vst.idx.add.f32.msk $0xffff, v1  }
0x129: {  	[tilespmem:v18+s2+$0x0] =	vst.idx.add.f32.msk $0xffff, v1  }
0x12a: {  	[tilespmem:v19+s2+$0x0] =	vst.idx.add.f32.msk $0xffff, v1  }
0x12b: {  	s18 =	simm.s32 $0x1D640;
	s17 =	simm.s32 $0x26B0;
	[tilespmem:v2+s2+$0x0] =	vst.idx.add.f32.msk $0xffff, v1  }
.LBB2_11:
0x12c: {  	v2 =	vld [tilespmem:s18+$0x0];
	_ =	sdelay $0x1  }
0x12d: {  	s17 =	sadd.s32 $0x10, s17  }
0x12e: {  	p1 =	slt.u32 s17, $0x2700  }
.Ltmp6:
0x12f: {  	_ = 	snop;
	(pc) =	sbr.rel @p1 .LBB2_11-.Ltmp6, $2  }
0x130: {  	_ =	sdelay $0x2  }
0x131: {  	s18 =	sadd.s32 $0x10, s18;
	[tilespmem:v2+s2+$0x0] =	vst.idx.add.f32.msk $0xffff, v1  }
.Ltmp7:
0x132: {  	(pc) =	sbr.rel @p0 .LBB2_14-.Ltmp7, $1  }
0x133: {  	_ =	sdelay $0x3  }
0x134: {  	s17 =	smul.u32 $0x4E20, s16  }
.Ltmp8:
0x135: {  	_ = 	snop;
	(pc) =	sbr.rel .LBB2_4-.Ltmp8, $4  }
0x136: {  	s17 =	sadd.s32 s17, s7  }
0x137: {  	s17 =	sshrl.u32 s17, $0x3  }
0x138: {  	s16 =	sadd.s32 $0x1, s16;
	s17 =	sadd.s32 s3, s17  }
0x139: {  	[tilespmem:s11], [sflag:$0x2] =	stream.linear.gather [hbm4b:s17+s2], $0x2710, $0x38;
	[tilespmem:$0x1D700] =	vst v63  }
.LBB2_15:
0x13a: {  	_ =	sfence.sel $0x180000  }
0x13b: {  	[bflag:$0x0] =	sbarrier.arrive $0xFFFF  }
0x13c: {  	p0 =	sne.s32 s1, $0x0;
	_ =	strace $0x9000004A  }
0x13d: {  	s0 =	sadd.s32 @!p0 $0x100000, s0;
	[bflag:$0x2] =	sbarrier.arrive $0xFFFF  }
0x13e: {  	[sflag:s0] =	ssyncadd.tile.s32 @!p0 $0x1;
	_ =	shalt  }
.Lfunc_end2:
_tile_overlayer_lowered:
.L_overlay_start_2:
0x13f: {  	(tag) =	ssettag $0x2  }
0x140: {  	s0 =	rddreg [dreg:$0x0];
	s2 =	stileid.u32  }
0x141: {  	s1 =	rddreg [dreg:$0x1];
	p0 =	sne.s32 s2, $0x0  }
0x142: {  	s3 =	rddreg [dreg:$0x2];
	[bflag:$0x3] =	sbarrier.arrive $0xFFFF;
	s2 =	simm.s32 @!p0 $0x1C03  }
0x143: {  	[timem:s3], [sflag:s2] =	dma.local @!p0 [hbm:s0], s1  }
0x144: {  	s0 =	simm.s32 @!p0 $0x3  }
0x145: {  	_ =	swait.ge @!p0 [sflag:s0], s1  }
0x146: {  	s1 =	ssub.s32 @!p0 $0x0, s1;
	[sflag:s0] =	ssyncset.done @!p0 $0x0  }
0x147: {  	[sflag:s0] =	ssyncadd.s32 @!p0 s1  }
0x148: {  	[bflag:$0x3] =	sbarrier.arrive $0xFFFF  }
0x149: {  	_ =	shalt  }

// kernel: kernel.9.cloned.1.call-start
scs
__scs_entry_jumppad:
0x0: {  	(pc) =	sbr.rel $0x88, $3  }
0x1: {  	(tag) =	ssettag $0x0;
	lr =	simm.s32 $0x1  }
0x2: {  	[smem:$0x3F9C] =	sst lr;
	_ =	strace $0xD0000000  }
0x3: {  	_ = 	snop  }
0x4: {  	_ = 	snop  }
0x5: {  	_ = 	snop  }
0x6: {  	_ = 	snop  }
0x7: {  	_ = 	snop  }
__scs_overlays_trampoline_lowered:
0x8: {  	[smem:$0x3FAB] =	sst s0  }
0x9: {  	[smem:$0x3FAC] =	sst s1  }
0xa: {  	[smem:$0x3FAD] =	sst s2  }
0xb: {  	[smem:$0x3FAE] =	sst s3  }
0xc: {  	[smem:$0x3FAF] =	sst s4  }
0xd: {  	[smem:$0x3FB0] =	sst s5  }
0xe: {  	[smem:$0x3FB1] =	sst s6  }
0xf: {  	[smem:$0x3FB2] =	sst s7  }
0x10: {  	[smem:$0x3FB3] =	sst s8  }
0x11: {  	[smem:$0x3FB4] =	sst s9;
	s0 =	simm.s32 @!p0 $0x0  }
0x12: {  	s1 =	sld [smem:$0x3F9A];
	s0 =	simm.s32 @p0 $0x1  }
0x13: {  	[smem:$0x3FB5] =	sst s0;
	s0 =	simm.s32 @!p1 $0x0  }
0x14: {  	s2 =	sld [smem:$0x3F99];
	s0 =	simm.s32 @p1 $0x1  }
0x15: {  	[smem:$0x3FB6] =	sst s0;
	s0 =	simm.s32 @!p2 $0x0  }
0x16: {  	s3 =	sld [smem:$0x3FDB];
	s0 =	simm.s32 @p2 $0x1  }
0x17: {  	s4 =	simm.s32 $0x1BF5;
	[smem:$0x3FB8] =	sst s0  }
0x18: {  	s0 =	sld [smem:$0x3F9B];
	_ =	swait.ge [sflag:s4], $0x0  }
0x19: {  	s7 =	sld [smem:$0x3F9C]  }
0x1a: {  	s8 =	sadd.s32 $0xFFFFE003, lr  }
0x1b: {  	s9 =	sadd.s32 $0xFFFFFEF7, lr;
	s5 =	simm.s32 $0xFFFFFFFF;
	p2 =	slt.u32 s8, $0xFFFFF086  }
0x1c: {  	p1 =	slt.u32 s9, $0xF7A;
	s5 =	simm.s32 @!p2 $0x0  }
0x1d: {  	s5 =	simm.s32 @p1 $0x1;
	p0 =	seq.s32 s7, s2  }
0x1e: {  	s7 =	smul.u32 @!p0 $0xF7A, s2;
	p2 =	seq.s32 @!p0 s5, $0x0  }
0x1f: {  	s9 =	smul.u32 $0xF7A, s1;
	s8 =	simm.s32 @!p0 $0x1BF5;
	p2 =	por !p2, p0  }
0x20: {  	[sflag:s8] =	ssyncset.s32 @!p0 $0xFFFFF086;
	s6 =	sadd.s32 @!p0 s3, s7;
	s7 =	simm.s32 @!p0 $0x108  }
0x21: {  	s3 =	sadd.s32 s3, s9;
	s6 =	sadd.s32 @!p0 $0x88, s6;
	s7 =	simm.s32 @p2 $0x1082  }
0x22: {  	[simem:s7], [sflag:s8] =	dma.local @!p0 [hbm:s6], $0xF7A  }
0x23: {  	s9 =	sor.u32 $0xD0000000, s2;
	s6 =	simm.s32 $0x108;
	_ =	swait.ge @!p0 [sflag:s8], $0x0  }
0x24: {  	s3 =	sadd.s32 $0x88, s3;
	s6 =	simm.s32 @!p1 $0x1082;
	[sflag:s4] =	ssyncset.s32 $0xFFFFF086  }
0x25: {  	[simem:s6], [sflag:s4] =	dma.local [hbm:s3], $0xF7A  }
0x26: {  	[smem:$0x3F9C] =	sst s1;
	(tag) =	ssettag s2;
	_ =	strace s9  }
0x27: {  	s1 =	sld [smem:$0x3FAC]  }
0x28: {  	s2 =	sld [smem:$0x3FAD]  }
0x29: {  	s4 =	sld [smem:$0x3FAF]  }
0x2a: {  	p0 =	seq.s32 s5, $0x0;
	s5 =	sld [smem:$0x3FB0]  }
0x2b: {  	s6 =	sld [smem:$0x3FB1]  }
0x2c: {  	s7 =	sld [smem:$0x3FB2]  }
0x2d: {  	s3 =	simm.s32 $0x108;
	s8 =	sld [smem:$0x3FB3]  }
0x2e: {  	s3 =	simm.s32 @!p0 $0x1082;
	s9 =	sld [smem:$0x3FB4]  }
0x2f: {  	lr =	sadd.s32 s0, s3;
	s0 =	sld [smem:$0x3FAB]  }
0x30: {  	s3 =	sld [smem:$0x3FAE]  }
0x31: {  	[smem:$0x3FB7] =	sst s10  }
0x32: {  	s10 =	sld [smem:$0x3FB5];
	_ =	sdelay $0x3  }
0x33: {  	p0 =	seq.s32 s10, $0x1;
	s10 =	sld [smem:$0x3FB7];
	_ =	sdelay $0x3  }
0x34: {  	[smem:$0x3FB7] =	sst s10  }
0x35: {  	s10 =	sld [smem:$0x3FB6];
	_ =	sdelay $0x3  }
0x36: {  	p1 =	seq.s32 s10, $0x1;
	s10 =	sld [smem:$0x3FB7];
	_ =	sdelay $0x3  }
0x37: {  	[smem:$0x3FB7] =	sst s10  }
0x38: {  	s10 =	sld [smem:$0x3FB8]  }
0x39: {  	_ = 	snop;
	(pc) =	sbr.ind lr, $3  }
0x3a: {  	_ = 	snop  }
0x3b: {  	_ = 	snop  }
0x3c: {  	p2 =	seq.s32 s10, $0x1;
	s10 =	sld [smem:$0x3FB7]  }
0x3d: {  	_ =	shalt  }
0x3e: {  	_ =	shalt  }
0x3f: {  	_ =	shalt  }
0x40: {  	_ =	shalt  }
0x41: {  	_ =	shalt  }
0x42: {  	_ =	shalt  }
0x43: {  	_ =	shalt  }
0x44: {  	_ =	shalt  }
0x45: {  	_ =	shalt  }
0x46: {  	_ =	shalt  }
0x47: {  	_ =	shalt  }
0x48: {  	_ =	shalt  }
0x49: {  	_ =	shalt  }
0x4a: {  	_ =	shalt  }
0x4b: {  	_ =	shalt  }
0x4c: {  	_ =	shalt  }
0x4d: {  	_ =	shalt  }
0x4e: {  	_ =	shalt  }
0x4f: {  	_ =	shalt  }
0x50: {  	_ =	shalt  }
0x51: {  	_ =	shalt  }
0x52: {  	_ =	shalt  }
0x53: {  	_ =	shalt  }
0x54: {  	_ =	shalt  }
0x55: {  	_ =	shalt  }
0x56: {  	_ =	shalt  }
0x57: {  	_ =	shalt  }
0x58: {  	_ =	shalt  }
0x59: {  	_ =	shalt  }
0x5a: {  	_ =	shalt  }
0x5b: {  	_ =	shalt  }
0x5c: {  	_ =	shalt  }
0x5d: {  	_ =	shalt  }
0x5e: {  	_ =	shalt  }
0x5f: {  	_ =	shalt  }
0x60: {  	_ =	shalt  }
0x61: {  	_ =	shalt  }
0x62: {  	_ =	shalt  }
0x63: {  	_ =	shalt  }
0x64: {  	_ =	shalt  }
0x65: {  	_ =	shalt  }
0x66: {  	_ =	shalt  }
0x67: {  	_ =	shalt  }
0x68: {  	_ =	shalt  }
0x69: {  	_ =	shalt  }
0x6a: {  	_ =	shalt  }
0x6b: {  	_ =	shalt  }
0x6c: {  	_ =	shalt  }
0x6d: {  	_ =	shalt  }
0x6e: {  	_ =	shalt  }
0x6f: {  	_ =	shalt  }
0x70: {  	_ =	shalt  }
0x71: {  	_ =	shalt  }
0x72: {  	_ =	shalt  }
0x73: {  	_ =	shalt  }
0x74: {  	_ =	shalt  }
0x75: {  	_ =	shalt  }
0x76: {  	_ =	shalt  }
0x77: {  	_ =	shalt  }
0x78: {  	_ =	shalt  }
0x79: {  	_ =	shalt  }
0x7a: {  	_ =	shalt  }
0x7b: {  	_ =	shalt  }
0x7c: {  	_ =	shalt  }
0x7d: {  	_ =	shalt  }
0x7e: {  	_ =	shalt  }
0x7f: {  	_ =	shalt  }
0x80: {  	_ =	shalt  }
0x81: {  	_ =	shalt  }
0x82: {  	_ =	shalt  }
0x83: {  	_ =	shalt  }
0x84: {  	_ =	shalt  }
0x85: {  	_ =	shalt  }
0x86: {  	_ =	shalt  }
0x87: {  	_ =	shalt  }
.Lfunc_end0:
.L_simem_size_0:
called_computation.2_lowered:
.L_overlay_start_0:
0x88: {  	s2 =	sld [smem:$0x3FD9]  }
0x89: {  	s3 =	sld [smem:$0x3FFE];
	_ =	sdelay $0x1  }
0x8a: {  	s1 =	srdreg.scid  }
0x8b: {  	s0 =	sand.u32 $0x1, s1  }
0x8c: {  	s17 =	sshll.u32 s0, $0xA;
	s2 =	sadd.s32 s3, s2  }
0x8d: {  	s2 =	sadd.s32 s2, s17  }
0x8e: {  	[smem:$0x3FC3] =	sst s2  }
0x8f: {  	_ = 	snop  }
0x90: {  	s2 =	sld [smem:$0x3FC7];
	(tm) =	ssettm $0x1  }
0x91: {  	s18 =	sld [smem:$0x3FFB];
	_ =	sdelay $0x3  }
0x92: {  	_ =	strace s18  }
0x93: {  	s3 =	sld [smem:$0x3FFC];
	_ =	sdelay $0x3  }
0x94: {  	_ =	strace s3  }
0x95: {  	s3 =	sld [smem:$0x3FFD];
	_ =	sdelay $0x3  }
0x96: {  	_ =	strace s3  }
0x97: {  	_ =	strace $0x8FFFFFFF  }
0x98: {  	s19 =	sld [smem:$0x3FDB];
	_ =	sdelay $0x1  }
0x99: {  	s4 =	simm.s32 $_scs_section_size  }
0x9a: {  	s5 =	simm.s32 $_size__tile_overlayer_lowered;
	s6 =	simm.s32 $_tile_overlayer_lowered  }
0x9b: {  	s22 =	simm.s32 $0x1BFF;
	s21 =	sshll.u32 s6, $0x1;
	s3 =	sadd.s32 s4, s19  }
0x9c: {  	s7 =	simm.s32 $0x0;
	s20 =	sshll.u32 s5, $0x1;
	s5 =	sadd.s32 s21, s3  }
0x9d: {  	[timem:s7], [sflag:s22] =	dma.local [hbm:s5], s20  }
0x9e: {  	_ =	swait.ge [sflag:s22], s20  }
0x9f: {  	s4 =	ssub.s32 $0x0, s20;
	[sflag:s22] =	ssyncset.done $0x0  }
0xa0: {  	[sflag:s22] =	ssyncadd.s32 s4;
	_ =	sdelay $0x1  }
0xa1: {  	s23 =	simm.s32 $0x1B8B  }
0xa2: {  	_ =	swait.ge [sflag:s23], $0x1  }
0xa3: {  	[sflag:s23] =	ssyncset.done $0x0  }
0xa4: {  	s25 =	simm.s32 $0x1B8E;
	s24 =	sld [smem:$0x3FFE];
	[sflag:s23] =	ssyncadd.s32 $0xFFFFFFFF  }
0xa5: {  	s26 =	simm.s32 $execute0_lowered;
	[smem:$0x3FD2] =	sst s25  }
0xa6: {  	s5 =	sshll.u32 s26, $0x1;
	_ =	strace $0x8000004C;
	[dreg:$0x1] =	wrdreg $0xFFFFFFFF  }
0xa7: {  	s28 =	simm.s32 $_size_execute0_lowered;
	s3 =	sadd.s32 s3, s5;
	[dreg:$0x0] =	wrdreg $0x0  }
0xa8: {  	s5 =	sshll.u32 s28, $0x1;
	[dreg:$0x2] =	wrdreg s3  }
0xa9: {  	[dreg:$0x3] =	wrdreg s5  }
0xaa: {  	[dreg:$0x4] =	wrdreg $0xC0  }
0xab: {  	_ =	task [dreg:s7], $0x5FFFF  }
0xac: {  	[dreg:$0x1] =	wrdreg $0xFFFFFFFF  }
0xad: {  	[dreg:$0x0] =	wrdreg $0x60  }
0xae: {  	[dreg:$0x2] =	wrdreg s24  }
0xaf: {  	[dreg:$0x3] =	wrdreg s2  }
0xb0: {  	[dreg:$0x4] =	wrdreg $0x188000  }
0xb1: {  	[dreg:$0x5] =	wrdreg $0x9  }
0xb2: {  	_ =	task.clear_ibuf [dreg:s7], $0x6FFFF;
	_ =	strace $0x9000004C  }
0xb3: {  	s29 =	simm.s32 $0x9;
	_ =	strace $0x8000004E  }
0xb4: {  	_ =	swait.ge [sflag:s29], $0x1  }
0xb5: {  	[sflag:s29] =	ssyncadd.s32 $0xFFFFFFFF  }
0xb6: {  	_ =	strace $0x9000004E  }
0xb7: {  	_ =	sfence  }
0xb8: {  	s30 =	sld [smem:$0x0];
	_ =	sdelay $0x2  }
0xb9: {  	s31 =	sshll.u32 s1, $0xD;
	s1 =	sshrl.u32 s1, $0x2  }
0xba: {  	s3 =	sand.u32 $0x4000, s31;
	s1 =	sadd.s32 s1, s30  }
0xbb: {  	s0 =	sor.u32 s3, s0;
	s1 =	sshll.u32 s1, $0x11  }
0xbc: {  	s0 =	sor.u32 s1, s0  }
0xbd: {  	s0 =	sadd.s32 $0x8F2B, s0  }
0xbe: {  	[sflag:s0] =	ssyncadd.remote.s32 $0x1  }
0xbf: {  	_ =	sfence.sel $0xFFFF  }
0xc0: {  	[dreg:$0x0] =	wrdreg $0xFFFFFFFF;
	(pc) =	sbr.abs _section_cstart, $3  }
0xc1: {  	[dreg:$0x1] =	wrdreg $0xFFFFFFFF  }
0xc2: {  	_ =	task.clear_ibuf [dreg:s7], $0x2FFFF;
	_ =	strace $0x9FFFFFFF  }
0xc3: {  	(tm) =	ssettm $0x7FFFFFFF  }
tec
execute0_lowered:
.L_overlay_start_1:
0x0: {  	(tag) =	ssettag $0x1  }
0x1: {  	s0 =	rddreg [dreg:$0x0];
	s2 =	srdreg.scid  }
0x2: {  	s1 =	rddreg [dreg:$0x1];
	s9 =	stileid.u32  }
0x3: {  	s3 =	simm.s32 $0x0;
	s20 =	simm.s32 $0x1A880;
	s21 =	simm.s32 $0x1B880  }
0x4: {  	s22 =	simm.s32 $0x1C880;
	s28 =	simm.s32 $0x1D880;
	s29 =	simm.s32 $0x7  }
0x5: {  	s30 =	simm.s32 $0x3;
	s31 =	simm.s32 $0x5;
	s5 =	sand.u32 $0x1, s2  }
0x6: {  	s18 =	simm.s32 $0x4;
	s2 =	rddreg [dreg:$0x2];
	s4 =	sshll.u32 s5, $0x4  }
0x7: {  	s19 =	simm.s32 $0x6;
	[smem:$0x7FF] =	sst s3;
	s4 =	sor.u32 s9, s4  }
0x8: {  	s6 =	sadd.s32 $0x187C00, s0;
	p0 =	sne.s32 s9, $0x0;
	s7 =	smul.u32 $0x3100, s4  }
0x9: {  	_ =	strace $0x8000004D;
	[dreg:$0x4] =	wrdreg s6;
	s4 =	smul.u32 $0x30D40, s4  }
0xa: {  	s6 =	sadd.s32 $0x1200, s0;
	s5 =	ssub.s32 $0x2, s5;
	s16 =	sshrl.u32 @!p0 s2, $0x3  }
0xb: {  	s8 =	sshrl.u32 s5, $0x1;
	s0 =	sadd.s32 s7, s0;
	s7 =	sadd.s32 $0x61A800, s4  }
0xc: {  	s5 =	ssub.s32 s5, s8;
	s10 =	sshrl.u32 s4, $0x3;
	s11 =	sshrl.u32 s7, $0x3  }
0xd: {  	s8 =	sadd.s32 s6, s10;
	s23 =	sadd.s32 $0xFA, s10;
	s10 =	sadd.s32 s1, s10  }
0xe: {  	s15 =	smax.u32 s5, $0x1;
	s11 =	sadd.s32 s6, s11;
	[dreg:$0x6] =	wrdreg s10  }
.Ltmp0:
0xf: {  	s24 =	sadd.s32 s6, s23;
	[dreg:$0x5] =	wrdreg s11;
	(pc) =	sbr.rel .LBB2_1-.Ltmp0, $4  }
0x10: {  	s5 =	simm.s32 $0x0;
	s25 =	sadd.s32 $0xC35FA, s8;
	[dreg:$0x7] =	wrdreg s24  }
0x11: {  	s14 =	sadd.s32 $0x18AE00, s0;
	s26 =	sadd.s32 s1, s23;
	[dreg:$0x8] =	wrdreg s25  }
0x12: {  	s0 =	simm.s32 $0x8;
	s23 =	simm.s32 $0x1;
	[dreg:$0x9] =	wrdreg s26  }
0x13: {  	v0 =	vimm.f32 $0.0e+00;
	s24 =	simm.s32 $0x7D0;
	s26 =	simm.s32 $0x2;
	s25 =	simm.s32 $0x9  }
.LBB2_10:
0x14: {  	s5 =	sadd.s32 $0x1, s5  }
0x15: {  	p1 =	sne.s32 s5, s15  }
.Ltmp1:
0x16: {  	_ = 	snop;
	(pc) =	sbr.rel @!p1 .LBB2_11-.Ltmp1, $4  }
0x17: {  	[hbm4b:s14+s3] =	stream.linear.scatter [tilespmem:s3], [sflag:$0x9], $0x18800, $0x38;
	[tilespmem:$0x1E080] =	vst v63  }
0x18: {  	_ =	swait.ge [sflag:s25], $0x18800  }
0x19: {  	[sflag:s25] =	ssyncset.done $0x0  }
0x1a: {  	[sflag:s25] =	ssyncadd.s32 $0xFFFE7800  }
.LBB2_1:
0x1b: {  	s9 =	simm.s32 @!p0 $0x1C07;
	s10 =	rddreg [dreg:$0x4]  }
0x1c: {  	[spmem:s16], [sflag:s9] =	dma.local @!p0 [hbm:s10], $0x3100  }
0x1d: {  	s9 =	simm.s32 $0x40  }
0x1e: {  	[tilespmem:s9+$0xFFFFFFC0] =	vst v0  }
0x1f: {  	[tilespmem:s9+$0x30] =	vst v0  }
0x20: {  	[tilespmem:s9+$0x20] =	vst v0  }
0x21: {  	[tilespmem:s9+$0x10] =	vst v0  }
0x22: {  	[tilespmem:s9+$0x0] =	vst v0  }
0x23: {  	[tilespmem:s9+$0xFFFFFFF0] =	vst v0  }
0x24: {  	s10 =	simm.s32 $0x0;
	[tilespmem:s9+$0xFFFFFFE0] =	vst v0  }
.LBB2_2:
0x25: {  	s10 =	sadd.s32 $0x80, s10;
	[tilespmem:s9+$0xFFFFFFD0] =	vst v0;
	s9 =	sadd.s32 $0x80, s9  }
0x26: {  	[tilespmem:s9+$0xFFFFFFC0] =	vst v0;
	p1 =	slt.u32 s10, $0x18780  }
0x27: {  	[tilespmem:s9+$0x30] =	vst v0  }
.Ltmp2:
0x28: {  	[tilespmem:s9+$0x20] =	vst v0;
	(pc) =	sbr.rel @p1 .LBB2_2-.Ltmp2, $4  }
0x29: {  	[tilespmem:s9+$0x10] =	vst v0  }
0x2a: {  	[tilespmem:s9+$0x0] =	vst v0  }
0x2b: {  	[tilespmem:s9+$0xFFFFFFF0] =	vst v0  }
0x2c: {  	[tilespmem:s9+$0xFFFFFFE0] =	vst v0  }
0x2d: {  	[tilespmem:s9+$0xFFFFFFD0] =	vst v0;
	s9 =	simm.s32 @!p0 $0x7  }
0x2e: {  	_ =	swait.ge @!p0 [sflag:s9], $0x3100  }
0x2f: {  	[sflag:s9] =	ssyncset.done @!p0 $0x0  }
0x30: {  	[sflag:s9] =	ssyncadd.s32 @!p0 $0xFFFFCF00  }
0x31: {  	s11 =	simm.s32 $0x1A080;
	s9 =	simm.s32 $0x0;
	[bflag:$0x0] =	sbarrier.arrive $0xFFFF  }
0x32: {  	[tilespmem:s11], [sflag:$0x1] =	stream.linear.gather [hbm4b:s8+s9], $0x7D0, $0x38;
	[tilespmem:$0x1E080] =	vst v63  }
0x33: {  	s12 =	simm.s32 $0x1B080;
	s10 =	rddreg [dreg:$0x5]  }
0x34: {  	[tilespmem:s12], [sflag:$0x3] =	stream.linear.gather [hbm4b:s10+s9], $0x7D0, $0x38;
	[tilespmem:$0x1E080] =	vst v63  }
0x35: {  	s13 =	simm.s32 $0x1C080;
	s12 =	rddreg [dreg:$0x6]  }
0x36: {  	[tilespmem:s13], [sflag:$0x5] =	stream.linear.gather [hbm4b:s12+s9], $0x7D0, $0x38;
	[tilespmem:$0x1E080] =	vst v63  }
0x37: {  	s17 =	rddreg [dreg:$0x7]  }
0x38: {  	[tilespmem:s20], [sflag:$0x2] =	stream.linear.gather [hbm4b:s17+s9], $0x7D0, $0x38;
	[tilespmem:$0x1E080] =	vst v63  }
0x39: {  	s12 =	rddreg [dreg:$0x8]  }
0x3a: {  	[tilespmem:s21], [sflag:$0x4] =	stream.linear.gather [hbm4b:s12+s9], $0x7D0, $0x38;
	[tilespmem:$0x1E080] =	vst v63  }
0x3b: {  	s13 =	rddreg [dreg:$0x9]  }
0x3c: {  	[tilespmem:s22], [sflag:$0x6] =	stream.linear.gather [hbm4b:s13+s9], $0x7D0, $0x38;
	[tilespmem:$0x1E080] =	vst v63  }
0x3d: {  	_ =	swait.ge [sflag:s23], $0x7D0  }
0x3e: {  	[sflag:s23] =	ssyncset.done $0x0  }
0x3f: {  	s17 =	simm.s32 $0x1D080;
	[sflag:s23] =	ssyncadd.s32 $0xFFFFF830  }
0x40: {  	[tilespmem:s17], [sflag:$0x7] =	stream.indirect.gather [spmem:s2], $0x1, s11, s24, $0xb8;
	[tilespmem:$0x1E080] =	vst v63  }
.LBB2_4:
0x41: {  	_ =	swait.ge [sflag:s26], $0x7D0  }
0x42: {  	[sflag:s26] =	ssyncset.done $0x0  }
0x43: {  	[sflag:s26] =	ssyncadd.s32 $0xFFFFF830  }
0x44: {  	[tilespmem:s28], [sflag:$0x8] =	stream.indirect.gather [spmem:s2], $0x1, s20, s24, $0xb8;
	[tilespmem:$0x1E080] =	vst v63  }
0x45: {  	_ =	swait.ge [sflag:s29], $0x7D0  }
0x46: {  	[sflag:s29] =	ssyncset.done $0x0  }
0x47: {  	[sflag:s29] =	ssyncadd.s32 $0xFFFFF830  }
0x48: {  	_ =	swait.ge [sflag:s30], $0x7D0  }
0x49: {  	[sflag:s30] =	ssyncset.done $0x0  }
0x4a: {  	[sflag:s30] =	ssyncadd.s32 $0xFFFFF830  }
0x4b: {  	_ =	swait.ge [sflag:s31], $0x7D0  }
0x4c: {  	[sflag:s31] =	ssyncset.done $0x0  }
0x4d: {  	s12 =	simm.s32 $0x1D0A0;
	[sflag:s31] =	ssyncadd.s32 $0xFFFFF830  }
0x4e: {  	s10 =	simm.s32 $0x1B0A0;
	v1 =	vld [tilespmem:s12+$0x20]  }
0x4f: {  	s11 =	simm.s32 $0x1C0A0;
	v2 =	vld [tilespmem:s10+$0x20]  }
0x50: {  	v3 =	vld [tilespmem:s11+$0x20]  }
0x51: {  	v7 =	vld [tilespmem:s11+$0xFFFFFFE0]  }
0x52: {  	v6 =	vld [tilespmem:s12+$0xFFFFFFF0]  }
0x53: {  	v8 =	vld [tilespmem:s11+$0xFFFFFFF0]  }
0x54: {  	v9 =	vld [tilespmem:s12+$0x0]  }
0x55: {  	v10 =	vld [tilespmem:s11+$0x0]  }
0x56: {  	v11 =	vld [tilespmem:s12+$0x10]  }
0x57: {  	v12 =	vld [tilespmem:s12+$0xFFFFFFE0];
	v1 =	vmul.f32 v3, v1  }
0x58: {  	v3 =	vld [tilespmem:s11+$0x10]  }
0x59: {  	[tilespmem:v2+s3+$0x0] =	vst.idx.add.f32.msk $0xffff, v1  }
0x5a: {  	v2 =	vmul.f32 v8, v6;
	v8 =	vld [tilespmem:s10+$0x10];
	_ =	sdelay $0x1  }
0x5b: {  	v4 =	vld [tilespmem:s10+$0xFFFFFFE0]  }
0x5c: {  	v5 =	vld [tilespmem:s10+$0xFFFFFFF0];
	v7 =	vmul.f32 v7, v12  }
0x5d: {  	s17 =	simm.s32 $0x1D0F0;
	s12 =	simm.s32 $0x0;
	v1 =	vmul.f32 v10, v9;
	v6 =	vld [tilespmem:s10+$0x0];
	v3 =	vmul.f32 v3, v11  }
.LBB2_5:
0x5e: {  	v9 =	vld [tilespmem:s17+$0x20];
	s10 =	sadd.s32 $0x50, s10;
	v10 =	vmov v8  }
0x5f: {  	s12 =	sadd.s32 $0x50, s12;
	s11 =	sadd.s32 $0x50, s11;
	v8 =	vld [tilespmem:s10+$0x20]  }
0x60: {  	p1 =	slt.u32 s12, $0x780;
	v11 =	vld [tilespmem:s11+$0x20]  }
0x61: {  	v12 =	vld [tilespmem:s11+$0xFFFFFFE0]  }
0x62: {  	v13 =	vld [tilespmem:s17+$0xFFFFFFF0]  }
0x63: {  	v14 =	vld [tilespmem:s11+$0xFFFFFFF0]  }
0x64: {  	v15 =	vld [tilespmem:s17+$0x0]  }
0x65: {  	v16 =	vld [tilespmem:s11+$0x0];
	v9 =	vmul.f32 v11, v9  }
0x66: {  	v11 =	vld [tilespmem:s17+$0x10]  }
0x67: {  	[tilespmem:v8+s3+$0x0] =	vst.idx.add.f32.msk $0xffff, v9  }
0x68: {  	v9 =	vmul.f32 v14, v13;
	v8 =	vld [tilespmem:s11+$0x10]  }
0x69: {  	v13 =	vld [tilespmem:s17+$0xFFFFFFE0]  }
0x6a: {  	v14 =	vld [tilespmem:s10+$0xFFFFFFE0];
	v15 =	vmul.f32 v16, v15  }
0x6b: {  	v16 =	vld [tilespmem:s10+$0xFFFFFFF0]  }
0x6c: {  	v17 =	vld [tilespmem:s10+$0x0]  }
.Ltmp3:
0x6d: {  	v11 =	vmul.f32 v8, v11;
	v8 =	vld [tilespmem:s10+$0x10];
	(pc) =	sbr.rel @p1 .LBB2_5-.Ltmp3, $4  }
0x6e: {  	[tilespmem:v4+s3+$0x0] =	vst.idx.add.f32.msk $0xffff, v7;
	v7 =	vmul.f32 v12, v13  }
0x6f: {  	[tilespmem:v5+s3+$0x0] =	vst.idx.add.f32.msk $0xffff, v2;
	v2 =	vmov v9;
	v4 =	vmov v14  }
0x70: {  	[tilespmem:v6+s3+$0x0] =	vst.idx.add.f32.msk $0xffff, v1;
	v1 =	vmov v15;
	v5 =	vmov v16  }
0x71: {  	s17 =	sadd.s32 $0x50, s17;
	[tilespmem:v10+s3+$0x0] =	vst.idx.add.f32.msk $0xffff, v3;
	v6 =	vmov v17;
	v3 =	vmov v11  }
0x72: {  	_ = 	snop  }
0x73: {  	p1 =	seq.s32 s9, $0x31  }
0x74: {  	s10 =	smul.u32 @!p1 $0xFA0, s9;
	_ =	sdelay $0x1  }
0x75: {  	[tilespmem:v4+s3+$0x0] =	vst.idx.add.f32.msk $0xffff, v7;
	s10 =	sadd.s32 @!p1 $0xFA0, s10  }
0x76: {  	[tilespmem:v5+s3+$0x0] =	vst.idx.add.f32.msk $0xffff, v2;
	s11 =	sadd.s32 @!p1 s4, s10  }
0x77: {  	[tilespmem:v6+s3+$0x0] =	vst.idx.add.f32.msk $0xffff, v1;
	s17 =	simm.s32 @!p1 $0x0;
	s10 =	sadd.s32 @!p1 s7, s10;
	s11 =	sshrl.u32 @!p1 s11, $0x3  }
0x78: {  	[tilespmem:v8+s3+$0x0] =	vst.idx.add.f32.msk $0xffff, v3;
	s13 =	simm.s32 @!p1 $0x1A080;
	s10 =	sshrl.u32 @!p1 s10, $0x3;
	s12 =	sadd.s32 @!p1 s6, s11  }
0x79: {  	[tilespmem:s13], [sflag:$0x1] =	stream.linear.gather @!p1 [hbm4b:s12+s17], $0x7D0, $0x38;
	[tilespmem:$0x1E080] =	vst v63  }
0x7a: {  	s10 =	sadd.s32 @!p1 s6, s10;
	s12 =	simm.s32 @!p1 $0x1B080  }
0x7b: {  	[tilespmem:s12], [sflag:$0x3] =	stream.linear.gather @!p1 [hbm4b:s10+s17], $0x7D0, $0x38;
	[tilespmem:$0x1E080] =	vst v63  }
0x7c: {  	s10 =	sadd.s32 @!p1 s1, s11;
	s11 =	simm.s32 @!p1 $0x1C080  }
0x7d: {  	[tilespmem:s11], [sflag:$0x5] =	stream.linear.gather @!p1 [hbm4b:s10+s17], $0x7D0, $0x38;
	[tilespmem:$0x1E080] =	vst v63  }
0x7e: {  	s10 =	simm.s32 @!p1 $0x1  }
0x7f: {  	_ =	swait.ge @!p1 [sflag:s10], $0x7D0  }
0x80: {  	[sflag:s10] =	ssyncset.done @!p1 $0x0  }
0x81: {  	s11 =	simm.s32 @!p1 $0x1D080;
	[sflag:s10] =	ssyncadd.s32 @!p1 $0xFFFFF830;
	s10 =	simm.s32 @!p1 $0x7D0  }
0x82: {  	[tilespmem:s11], [sflag:$0x7] =	stream.indirect.gather @!p1 [spmem:s2], $0x1, s13, s10, $0xb8;
	[tilespmem:$0x1E080] =	vst v63  }
0x83: {  	_ =	swait.ge [sflag:s0], $0x7D0  }
0x84: {  	[sflag:s0] =	ssyncset.done $0x0  }
0x85: {  	[sflag:s0] =	ssyncadd.s32 $0xFFFFF830  }
0x86: {  	_ =	swait.ge [sflag:s18], $0x7D0  }
0x87: {  	[sflag:s18] =	ssyncset.done $0x0  }
0x88: {  	[sflag:s18] =	ssyncadd.s32 $0xFFFFF830  }
0x89: {  	_ =	swait.ge [sflag:s19], $0x7D0  }
0x8a: {  	[sflag:s19] =	ssyncset.done $0x0  }
0x8b: {  	s17 =	simm.s32 $0x1D8A0;
	[sflag:s19] =	ssyncadd.s32 $0xFFFFF830  }
0x8c: {  	s10 =	simm.s32 $0x1B8A0;
	v1 =	vld [tilespmem:s17+$0x20]  }
0x8d: {  	s11 =	simm.s32 $0x1C8A0;
	v2 =	vld [tilespmem:s10+$0x20]  }
0x8e: {  	v3 =	vld [tilespmem:s11+$0x20]  }
0x8f: {  	v7 =	vld [tilespmem:s11+$0xFFFFFFE0]  }
0x90: {  	v4 =	vld [tilespmem:s17+$0xFFFFFFF0]  }
0x91: {  	v6 =	vld [tilespmem:s11+$0xFFFFFFF0]  }
0x92: {  	v8 =	vld [tilespmem:s17+$0x0]  }
0x93: {  	v9 =	vld [tilespmem:s11+$0x0]  }
0x94: {  	v10 =	vld [tilespmem:s17+$0x10]  }
0x95: {  	v11 =	vld [tilespmem:s11+$0x10];
	v1 =	vmul.f32 v3, v1  }
0x96: {  	v12 =	vld [tilespmem:s17+$0xFFFFFFE0]  }
0x97: {  	[tilespmem:v2+s3+$0x0] =	vst.idx.add.f32.msk $0xffff, v1  }
0x98: {  	v2 =	vmul.f32 v9, v8;
	v8 =	vld [tilespmem:s10+$0x10];
	_ =	sdelay $0x1  }
0x99: {  	v5 =	vld [tilespmem:s10+$0xFFFFFFF0]  }
0x9a: {  	v3 =	vld [tilespmem:s10+$0xFFFFFFE0];
	v7 =	vmul.f32 v7, v12  }
0x9b: {  	s12 =	simm.s32 $0x0;
	s17 =	simm.s32 $0x1D8F0;
	v1 =	vmul.f32 v6, v4;
	v6 =	vld [tilespmem:s10+$0x0];
	v4 =	vmul.f32 v11, v10  }
.LBB2_7:
0x9c: {  	v9 =	vld [tilespmem:s17+$0x20];
	s10 =	sadd.s32 $0x50, s10;
	v10 =	vmov v8  }
0x9d: {  	s12 =	sadd.s32 $0x50, s12;
	s11 =	sadd.s32 $0x50, s11;
	v8 =	vld [tilespmem:s10+$0x20]  }
0x9e: {  	p2 =	slt.u32 s12, $0x780;
	v11 =	vld [tilespmem:s11+$0x20]  }
0x9f: {  	v12 =	vld [tilespmem:s11+$0xFFFFFFE0]  }
0xa0: {  	v13 =	vld [tilespmem:s17+$0xFFFFFFF0]  }
0xa1: {  	v14 =	vld [tilespmem:s11+$0xFFFFFFF0]  }
0xa2: {  	v15 =	vld [tilespmem:s17+$0x0]  }
0xa3: {  	v16 =	vld [tilespmem:s11+$0x0];
	v9 =	vmul.f32 v11, v9  }
0xa4: {  	v11 =	vld [tilespmem:s17+$0x10]  }
0xa5: {  	[tilespmem:v8+s3+$0x0] =	vst.idx.add.f32.msk $0xffff, v9  }
0xa6: {  	v9 =	vmul.f32 v14, v13;
	v8 =	vld [tilespmem:s11+$0x10]  }
0xa7: {  	v13 =	vld [tilespmem:s17+$0xFFFFFFE0]  }
0xa8: {  	v14 =	vld [tilespmem:s10+$0xFFFFFFE0];
	v15 =	vmul.f32 v16, v15  }
0xa9: {  	v16 =	vld [tilespmem:s10+$0xFFFFFFF0]  }
0xaa: {  	v17 =	vld [tilespmem:s10+$0x0]  }
.Ltmp4:
0xab: {  	v11 =	vmul.f32 v8, v11;
	v8 =	vld [tilespmem:s10+$0x10];
	(pc) =	sbr.rel @p2 .LBB2_7-.Ltmp4, $4  }
0xac: {  	[tilespmem:v3+s3+$0x0] =	vst.idx.add.f32.msk $0xffff, v7;
	v7 =	vmul.f32 v12, v13  }
0xad: {  	[tilespmem:v5+s3+$0x0] =	vst.idx.add.f32.msk $0xffff, v1;
	v1 =	vmov v9;
	v3 =	vmov v14  }
0xae: {  	[tilespmem:v6+s3+$0x0] =	vst.idx.add.f32.msk $0xffff, v2;
	v2 =	vmov v15;
	v5 =	vmov v16  }
0xaf: {  	s17 =	sadd.s32 $0x50, s17;
	[tilespmem:v10+s3+$0x0] =	vst.idx.add.f32.msk $0xffff, v4;
	v6 =	vmov v17;
	v4 =	vmov v11  }
0xb0: {  	_ =	sdelay $0x2  }
.Ltmp5:
0xb1: {  	_ = 	snop;
	(pc) =	sbr.rel @p1 .LBB2_10-.Ltmp5, $4  }
0xb2: {  	[tilespmem:v3+s3+$0x0] =	vst.idx.add.f32.msk $0xffff, v7  }
0xb3: {  	[tilespmem:v5+s3+$0x0] =	vst.idx.add.f32.msk $0xffff, v1  }
0xb4: {  	[tilespmem:v6+s3+$0x0] =	vst.idx.add.f32.msk $0xffff, v2  }
0xb5: {  	[tilespmem:v8+s3+$0x0] =	vst.idx.add.f32.msk $0xffff, v4  }
0xb6: {  	s10 =	smul.u32 $0xFA0, s9;
	_ =	sdelay $0x1  }
0xb7: {  	s10 =	sadd.s32 $0x1770, s10  }
0xb8: {  	s11 =	sadd.s32 s4, s10  }
0xb9: {  	s11 =	sshrl.u32 s11, $0x3  }
0xba: {  	s10 =	sadd.s32 s7, s10;
	s12 =	sadd.s32 s6, s11  }
0xbb: {  	[tilespmem:s20], [sflag:$0x2] =	stream.linear.gather [hbm4b:s12+s3], $0x7D0, $0x38;
	[tilespmem:$0x1E080] =	vst v63  }
.Ltmp6:
0xbc: {  	s10 =	sshrl.u32 s10, $0x3;
	(pc) =	sbr.rel .LBB2_4-.Ltmp6, $4  }
0xbd: {  	s10 =	sadd.s32 s6, s10  }
0xbe: {  	[tilespmem:s21], [sflag:$0x4] =	stream.linear.gather [hbm4b:s10+s3], $0x7D0, $0x38;
	[tilespmem:$0x1E080] =	vst v63  }
0xbf: {  	s9 =	sadd.s32 $0x1, s9;
	s17 =	sadd.s32 s1, s11  }
0xc0: {  	[tilespmem:s22], [sflag:$0x6] =	stream.linear.gather [hbm4b:s17+s3], $0x7D0, $0x38;
	[tilespmem:$0x1E080] =	vst v63  }
.LBB2_11:
0xc1: {  	_ =	sfence.sel $0x180000  }
0xc2: {  	[bflag:$0x0] =	sbarrier.arrive $0xFFFF  }
0xc3: {  	_ =	strace $0x9000004D  }
0xc4: {  	[bflag:$0x2] =	sbarrier.arrive $0xFFFF  }
0xc5: {  	s0 =	rddreg [dreg:$0x3]  }
0xc6: {  	s0 =	sadd.s32 @!p0 $0x100000, s0  }
0xc7: {  	[sflag:s0] =	ssyncadd.tile.s32 @!p0 $0x1;
	_ =	shalt  }
.Lfunc_end2:
_tile_overlayer_lowered:
.L_overlay_start_2:
0xc8: {  	(tag) =	ssettag $0x2  }
0xc9: {  	s0 =	rddreg [dreg:$0x0];
	s2 =	stileid.u32  }
0xca: {  	s1 =	rddreg [dreg:$0x1];
	p0 =	sne.s32 s2, $0x0  }
0xcb: {  	s3 =	rddreg [dreg:$0x2];
	[bflag:$0x3] =	sbarrier.arrive $0xFFFF;
	s2 =	simm.s32 @!p0 $0x1C09  }
0xcc: {  	[timem:s3], [sflag:s2] =	dma.local @!p0 [hbm:s0], s1  }
0xcd: {  	s0 =	simm.s32 @!p0 $0x9  }
0xce: {  	_ =	swait.ge @!p0 [sflag:s0], s1  }
0xcf: {  	s1 =	ssub.s32 @!p0 $0x0, s1;
	[sflag:s0] =	ssyncset.done @!p0 $0x0  }
0xd0: {  	[sflag:s0] =	ssyncadd.s32 @!p0 s1  }
0xd1: {  	[bflag:$0x3] =	sbarrier.arrive $0xFFFF  }
0xd2: {  	_ =	shalt  }

// kernel: sparse-core-data-format-call.cloned.1.call-start
scs
called_computation_lowered:
.L_overlay_start_0:
0x0: {  	s2 =	sld [smem:$0x3FD9]  }
0x1: {  	s3 =	sld [smem:$0x3FFE];
	_ =	sdelay $0x1  }
0x2: {  	s1 =	srdreg.scid  }
0x3: {  	s0 =	sand.u32 $0x1, s1  }
0x4: {  	s18 =	sshll.u32 s0, $0xA;
	s2 =	sadd.s32 s3, s2  }
0x5: {  	s2 =	sadd.s32 s2, s18  }
0x6: {  	[smem:$0x3FC3] =	sst s2  }
0x7: {  	_ = 	snop  }
0x8: {  	s2 =	sld [smem:$0x3FC8];
	(tm) =	ssettm $0x1  }
0x9: {  	s19 =	sld [smem:$0x3FFB];
	_ =	sdelay $0x3  }
0xa: {  	_ =	strace s19  }
0xb: {  	s3 =	sld [smem:$0x3FFC];
	_ =	sdelay $0x3  }
0xc: {  	_ =	strace s3  }
0xd: {  	s3 =	sld [smem:$0x3FFD];
	_ =	sdelay $0x3  }
0xe: {  	_ =	strace s3  }
0xf: {  	_ =	strace $0x8FFFFFFF  }
0x10: {  	s20 =	sld [smem:$0x3FDB];
	_ =	sdelay $0x1  }
0x11: {  	s4 =	simm.s32 $_scs_section_size  }
0x12: {  	s5 =	simm.s32 $_size__tile_overlayer_lowered;
	s6 =	simm.s32 $_tile_overlayer_lowered  }
0x13: {  	s23 =	simm.s32 $0x1BFF;
	s22 =	sshll.u32 s6, $0x1;
	s3 =	sadd.s32 s4, s20  }
0x14: {  	s7 =	simm.s32 $0x0;
	s21 =	sshll.u32 s5, $0x1;
	s5 =	sadd.s32 s22, s3  }
0x15: {  	[timem:s7], [sflag:s23] =	dma.local [hbm:s5], s21  }
0x16: {  	_ =	swait.ge [sflag:s23], s21  }
0x17: {  	s4 =	ssub.s32 $0x0, s21;
	[sflag:s23] =	ssyncset.done $0x0  }
0x18: {  	[sflag:s23] =	ssyncadd.s32 s4;
	_ =	sdelay $0x1  }
0x19: {  	s24 =	simm.s32 $0x1B8B  }
0x1a: {  	_ =	swait.ge [sflag:s24], $0x1  }
0x1b: {  	[sflag:s24] =	ssyncset.done $0x0  }
0x1c: {  	s26 =	simm.s32 $0x1B8E;
	s25 =	sld [smem:$0x3FFE];
	[sflag:s24] =	ssyncadd.s32 $0xFFFFFFFF  }
0x1d: {  	s27 =	simm.s32 $execute0_lowered;
	[smem:$0x3FD2] =	sst s26  }
0x1e: {  	s5 =	sshll.u32 s27, $0x1;
	_ =	strace $0x80000046;
	[dreg:$0x1] =	wrdreg $0xFFFFFFFF  }
0x1f: {  	s28 =	simm.s32 $_size_execute0_lowered;
	s3 =	sadd.s32 s3, s5;
	[dreg:$0x0] =	wrdreg $0x0  }
0x20: {  	s5 =	sshll.u32 s28, $0x1;
	[dreg:$0x2] =	wrdreg s3  }
0x21: {  	[dreg:$0x3] =	wrdreg s5  }
0x22: {  	[dreg:$0x4] =	wrdreg $0xC0  }
0x23: {  	_ =	task [dreg:s7], $0x5FFFF  }
0x24: {  	[dreg:$0x1] =	wrdreg $0xFFFFFFFF  }
0x25: {  	[dreg:$0x0] =	wrdreg $0x60  }
0x26: {  	[dreg:$0x2] =	wrdreg s2  }
0x27: {  	[dreg:$0x3] =	wrdreg s25  }
0x28: {  	[dreg:$0x4] =	wrdreg $0x9  }
0x29: {  	_ =	task.clear_ibuf [dreg:s7], $0x5FFFF;
	_ =	strace $0x90000046  }
0x2a: {  	s29 =	simm.s32 $0x9;
	_ =	strace $0x80000048  }
0x2b: {  	_ =	swait.ge [sflag:s29], $0x1  }
0x2c: {  	[sflag:s29] =	ssyncadd.s32 $0xFFFFFFFF  }
0x2d: {  	_ =	strace $0x90000048  }
0x2e: {  	_ =	sfence  }
0x2f: {  	s30 =	sld [smem:$0x0];
	_ =	sdelay $0x2  }
0x30: {  	s31 =	sshll.u32 s1, $0xD;
	s1 =	sshrl.u32 s1, $0x2  }
0x31: {  	s3 =	sand.u32 $0x4000, s31;
	s1 =	sadd.s32 s1, s30  }
0x32: {  	s0 =	sor.u32 s3, s0;
	s1 =	sshll.u32 s1, $0x11  }
0x33: {  	s0 =	sor.u32 s1, s0  }
0x34: {  	s0 =	sadd.s32 $0x8F2B, s0  }
0x35: {  	[sflag:s0] =	ssyncadd.remote.s32 $0x1  }
0x36: {  	_ =	sfence.sel $0xFFFF  }
0x37: {  	[dreg:$0x0] =	wrdreg $0xFFFFFFFF;
	(pc) =	sbr.abs _section_cstart, $3  }
0x38: {  	[dreg:$0x1] =	wrdreg $0xFFFFFFFF  }
0x39: {  	_ =	task.clear_ibuf [dreg:s7], $0x2FFFF;
	_ =	strace $0x9FFFFFFF  }
0x3a: {  	(tm) =	ssettm $0x7FFFFFFF  }
0x3b: {  	_ =	shalt  }
tec
execute0_lowered:
.L_overlay_start_1:
0x0: {  	(tag) =	ssettag $0x1  }
0x1: {  	s0 =	stileid.u32;
	s7 =	rddreg [dreg:$0x0]  }
0x2: {  	s1 =	srdreg.scid;
	s4 =	rddreg [dreg:$0x1]  }
0x3: {  	s30 =	simm.s32 $0x2;
	s10 =	simm.s32 $0x0;
	s14 =	simm.s32 $0x0  }
0x4: {  	s15 =	simm.s32 $0x0;
	s11 =	simm.s32 $0x0;
	s13 =	simm.s32 $0x0  }
0x5: {  	s2 =	sand.u32 $0x1, s1;
	s3 =	sshll.u32 s0, $0x7;
	s1 =	rddreg [dreg:$0x2]  }
0x6: {  	_ =	strace $0x80000047;
	s5 =	ssub.s32 $0xC300, s3;
	s6 =	ssub.s32 $0x2, s2  }
.Ltmp0:
0x7: {  	s5 =	sshrl.u32 s5, $0xB;
	s8 =	sshrl.u32 s6, $0x1;
	(pc) =	sbr.rel .LBB1_1-.Ltmp0, $4  }
0x8: {  	s4 =	sadd.s32 $0x1200, s4;
	s9 =	sadd.s32 $0x1, s5;
	s6 =	ssub.s32 s6, s8  }
0x9: {  	s31 =	sshll.u32 s2, $0x4;
	s5 =	simm.s32 $0x1;
	s6 =	smul.u32 s9, s6  }
0xa: {  	s12 =	smov.u32 s3;
	s7 =	sadd.s32 s7, s31;
	[sflag:s5] =	ssyncpa.u1 $0x0  }
0xb: {  	s9 =	simm.s32 $0x0;
	[sflag:s30] =	ssyncpa.u1 $0x0;
	s8 =	sadd.s32 $0x1, s6  }
.LBB1_4:
0xc: {  	s21 =	simm.s32 $0x0  }
.LBB1_8:
0xd: {  	_ =	sdelay $0x3  }
0xe: {  	v6 =	vld [tilespmem:s18+$0xFFFFFFC0];
	[tilespmem:v0+s20+$0x30 ss:$0x1] =	vst.idx.msk @p0 $0xffff, v2  }
0xf: {  	v58 =	vld [tilespmem:s18+$0xFFFFFFD0];
	[tilespmem:v0+s20+$0x40 ss:$0x1] =	vst.idx.msk @p0 $0xffff, v3;
	s21 =	sadd.s32 @p0 $0x80, s21  }
0x10: {  	v59 =	vld [tilespmem:s18+$0xFFFFFFE0];
	[tilespmem:v0+s20+$0x50 ss:$0x1] =	vst.idx.msk @p0 $0xffff, v5;
	s19 =	smov.u32 @p0 s21  }
0x11: {  	v60 =	vld [tilespmem:s18+$0xFFFFFFF0];
	[tilespmem:v0+s20+$0x60 ss:$0x1] =	vst.idx.msk @p0 $0xffff, v4;
	s19 =	sand.u32 $0x3F80, s19  }
0x12: {  	v61 =	vld [tilespmem:s18+$0x0];
	[tilespmem:v0+s19+$0x70 ss:$0x1] =	vst.idx.msk $0xffff, v1  }
0x13: {  	v62 =	vld [tilespmem:s18+$0x10];
	[tilespmem:v0+s19+$0x0 ss:$0x1] =	vst.idx.msk $0xffff, v6  }
0x14: {  	v63 =	vld [tilespmem:s18+$0x20];
	[tilespmem:v0+s19+$0x10 ss:$0x1] =	vst.idx.msk $0xffff, v58  }
0x15: {  	[tilespmem:v0+s19+$0x20 ss:$0x1] =	vst.idx.msk $0xffff, v59  }
0x16: {  	[tilespmem:v0+s19+$0x30 ss:$0x1] =	vst.idx.msk $0xffff, v60  }
0x17: {  	[tilespmem:v0+s19+$0x40 ss:$0x1] =	vst.idx.msk $0xffff, v61  }
0x18: {  	[tilespmem:v0+s19+$0x50 ss:$0x1] =	vst.idx.msk $0xffff, v62  }
0x19: {  	[tilespmem:v0+s19+$0x60 ss:$0x1] =	vst.idx.msk $0xffff, v63  }
.LBB1_9:
0x1a: {  	s18 =	sand.u32 $0x1FFFFFF, s11  }
0x1b: {  	s19 =	smulhi.u32 $0x14F8B59, s18;
	_ =	sdelay $0x1  }
0x1c: {  	s19 =	sshrl.u32 s19, $0x8  }
0x1d: {  	s19 =	smul.u32 $0xC350, s19  }
0x1e: {  	s15 =	smul.u32 $0xC3500, s15  }
0x1f: {  	s18 =	ssub.s32 s18, s19  }
0x20: {  	s15 =	sadd.s32 s4, s15;
	s18 =	sshll.u32 s18, $0x4  }
0x21: {  	s15 =	sadd.s32 s18, s15  }
0x22: {  	[hbm4b:s15+s9] =	stream.linear.scatter [tilespmem:s17], [sflag:$0x2], s16, $0x38;
	[tilespmem:$0x10000] =	vst v63  }
.LBB1_10:
0x23: {  	p0 =	slt.u32 s13, $0x2  }
0x24: {  	p1 =	sgt.s32 @!p0 s14, $0xC2D0  }
0x25: {  	s15 =	smov.u32 s14;
	s16 =	sshra.s32 @!p0 s14, $0x1F;
	p1 =	por !p1, p0  }
0x26: {  	s14 =	sand.u32 @!p0 s16, s14;
	s15 =	simm.s32 @p1 $0xC2D0  }
0x27: {  	s14 =	ssub.s32 @!p0 s15, s14  }
0x28: {  	s14 =	sadd.s32 @!p0 $0xFFFF3D30, s14  }
0x29: {  	s15 =	sshll.u32 @!p0 s14, $0x7  }
0x2a: {  	p1 =	sgt.s32 @!p0 s14, $0x7F;
	s14 =	ssub.s32 @!p0 $0x4000, s15  }
0x2b: {  	s16 =	sadd.s32 $0x800, s12;
	p1 =	por !p1, p0;
	s14 =	sand.u32 @!p0 $0x3FFFFF80, s14  }
0x2c: {  	s14 =	simm.s32 @!p1 $0x0;
	p1 =	sgt.s32 s16, $0xC34F  }
0x2d: {  	s16 =	smov.u32 @p1 s3;
	p1 =	sne.s32 s13, s8  }
.Ltmp1:
0x2e: {  	_ = 	snop;
	(pc) =	sbr.rel @!p1 .LBB1_11-.Ltmp1, $4  }
0x2f: {  	s10 =	sadd.s32 $0x4000, s10;
	s15 =	simm.s32 @!p0 $0x2  }
0x30: {  	_ =	swait.ge @!p0 [sflag:s15], s14;
	s17 =	ssub.s32 @!p0 $0x0, s14;
	s14 =	smov.u32 s11  }
0x31: {  	s13 =	sadd.s32 $0x1, s13;
	s11 =	smov.u32 s12;
	[sflag:s15] =	ssyncset.done @!p0 $0x0  }
0x32: {  	s12 =	smov.u32 s16;
	[sflag:s15] =	ssyncadd.s32 @!p0 s17;
	s15 =	smov.u32 s2  }
.LBB1_1:
0x33: {  	p0 =	sge.u32 s13, s6  }
0x34: {  	p1 =	sgt.s32 @!p0 s12, $0xC2D0  }
0x35: {  	s16 =	smov.u32 s12;
	s17 =	sshra.s32 @!p0 s12, $0x1F;
	p1 =	por !p1, p0  }
0x36: {  	s17 =	sand.u32 @!p0 s17, s12;
	s16 =	simm.s32 @p1 $0xC2D0  }
0x37: {  	s16 =	ssub.s32 @!p0 s16, s17  }
0x38: {  	s31 =	sadd.s32 $0xFFFFFFFF, s13;
	s18 =	sxor.u32 @!p0 $0xFFFFFFFF, s13;
	s16 =	sadd.s32 @!p0 $0xFFFF3D30, s16  }
0x39: {  	s19 =	simm.s32 @!p0 $0x80;
	s20 =	simm.s32 @!p0 $0x100;
	s17 =	sshll.u32 @!p0 s16, $0x7  }
0x3a: {  	p1 =	sgt.s32 @!p0 s16, $0x7F;
	s16 =	ssub.s32 @!p0 $0x4000, s17;
	s17 =	sshll.u32 @!p0 s18, $0xE  }
0x3b: {  	p1 =	por !p1, p0;
	s18 =	sshll.u32 @!p0 s12, $0x5;
	s16 =	sand.u32 @!p0 $0x3FFFFF80, s16  }
0x3c: {  	s17 =	sand.u32 @!p0 $0x4000, s17;
	s18 =	sadd.s32 @!p0 s18, s7;
	s16 =	simm.s32 @!p1 $0x0  }
0x3d: {  	[tilespmem:s17], [sflag:$0x1] =	stream.strided.gather @!p0 [hbm4b:s18+s19], s16, s20, s19, $0x38;
	[tilespmem:$0x10000] =	vst v63  }
0x3e: {  	p0 =	sge.u32 s31, s6  }
.Ltmp2:
0x3f: {  	_ = 	snop;
	(pc) =	sbr.rel @p0 .LBB1_10-.Ltmp2, $1  }
0x40: {  	_ =	sdelay $0x3  }
0x41: {  	p0 =	sgt.s32 s11, $0xC2D0;
	s16 =	smov.u32 s11;
	s17 =	sshra.s32 s11, $0x1F  }
0x42: {  	s16 =	simm.s32 @!p0 $0xC2D0;
	s17 =	sand.u32 s17, s11  }
0x43: {  	s16 =	ssub.s32 s16, s17  }
0x44: {  	s16 =	sadd.s32 $0xFFFF3D30, s16  }
0x45: {  	s30 =	sshll.u32 s16, $0x7  }
0x46: {  	s17 =	ssub.s32 $0x4000, s30  }
0x47: {  	p0 =	sgt.s32 s16, $0x7F;
	s16 =	sand.u32 $0x3FFFFF80, s17;
	s17 =	sadd.s32 $0x80, s11  }
0x48: {  	s16 =	simm.s32 @p0 $0x0;
	p0 =	slt.s32 s17, $0xC350  }
0x49: {  	s17 =	simm.s32 @!p0 $0xC350  }
0x4a: {  	s20 =	ssub.s32 s17, s11  }
0x4b: {  	p0 =	slt.s32 s20, $0x1  }
.Ltmp3:
0x4c: {  	_ = 	snop;
	(pc) =	sbr.rel @p0 .LBB1_9-.Ltmp3, $4  }
0x4d: {  	_ = 	snop  }
0x4e: {  	s19 =	sshll.u32 s13, $0xE;
	_ =	swait.ge [sflag:s5], s16  }
0x4f: {  	s31 =	sand.u32 $0x4000, s19;
	s18 =	ssub.s32 $0x0, s16;
	[sflag:s5] =	ssyncset.done $0x0  }
0x50: {  	s17 =	sor.u32 $0x8000, s31;
	[sflag:s5] =	ssyncadd.s32 s18  }
0x51: {  	p1 =	sne.s32 s20, $0x1  }
.Ltmp4:
0x52: {  	v0 =	vmov s17;
	(pc) =	sbr.rel @!p1 .LBB1_4-.Ltmp4, $4  }
0x53: {  	_ = 	snop  }
0x54: {  	s18 =	sand.u32 $0x4000, s10  }
0x55: {  	s18 =	sor.u32 $0x40, s18  }
0x56: {  	s19 =	simm.s32 $0x0;
	s21 =	sadd.s32 $0xFFFFFFFF, s20;
	p0 =	por $0x0, $0x0;
	v1 =	vld [tilespmem:s18+$0x30]  }
0x57: {  	v4 =	vld [tilespmem:s18+$0xFFFFFFC0]  }
0x58: {  	v6 =	vld [tilespmem:s18+$0xFFFFFFD0]  }
0x59: {  	v7 =	vld [tilespmem:s18+$0xFFFFFFE0];
	p1 =	sne.s32 s21, $0x1  }
.Ltmp5:
0x5a: {  	v2 =	vld [tilespmem:s18+$0xFFFFFFF0];
	s20 =	sand.u32 $0x3F80, s19;
	(pc) =	sbr.rel @!p1 .LBB1_6-.Ltmp5, $4  }
0x5b: {  	v3 =	vld [tilespmem:s18+$0x0];
	[tilespmem:v0+s20+$0x70 ss:$0x1] =	vst.idx.msk $0xffff, v1  }
0x5c: {  	v5 =	vld [tilespmem:s18+$0x10];
	[tilespmem:v0+s20+$0x0 ss:$0x1] =	vst.idx.msk $0xffff, v4  }
0x5d: {  	v4 =	vld [tilespmem:s18+$0x20];
	[tilespmem:v0+s20+$0x10 ss:$0x1] =	vst.idx.msk $0xffff, v6;
	s18 =	sadd.s32 $0x80, s18  }
0x5e: {  	s22 =	sadd.s32 $0xFFFFFFFF, s21;
	p0 =	por $0x1, $0x1;
	s21 =	simm.s32 $0x0;
	[tilespmem:v0+s20+$0x20 ss:$0x1] =	vst.idx.msk $0xffff, v7;
	v1 =	vld [tilespmem:s18+$0x30]  }
.LBB1_7:
0x5f: {  	p1 =	sne.s32 s22, $0x1;
	v6 =	vld [tilespmem:s18+$0xFFFFFFC0];
	[tilespmem:v0+s20+$0x30 ss:$0x1] =	vst.idx.msk $0xffff, v2  }
0x60: {  	v7 =	vld [tilespmem:s18+$0xFFFFFFD0];
	[tilespmem:v0+s20+$0x40 ss:$0x1] =	vst.idx.msk $0xffff, v3  }
0x61: {  	s21 =	sadd.s32 $0x80, s21;
	v8 =	vld [tilespmem:s18+$0xFFFFFFE0];
	[tilespmem:v0+s20+$0x50 ss:$0x1] =	vst.idx.msk $0xffff, v5  }
.Ltmp6:
0x62: {  	v2 =	vld [tilespmem:s18+$0xFFFFFFF0];
	[tilespmem:v0+s20+$0x60 ss:$0x1] =	vst.idx.msk $0xffff, v4;
	s20 =	sand.u32 $0x3F80, s21;
	(pc) =	sbr.rel @p1 .LBB1_7-.Ltmp6, $4  }
0x63: {  	v3 =	vld [tilespmem:s18+$0x0];
	[tilespmem:v0+s20+$0x70 ss:$0x1] =	vst.idx.msk $0xffff, v1  }
0x64: {  	[tilespmem:v0+s20+$0x0 ss:$0x1] =	vst.idx.msk $0xffff, v6;
	v5 =	vld [tilespmem:s18+$0x10]  }
0x65: {  	[tilespmem:v0+s20+$0x10 ss:$0x1] =	vst.idx.msk $0xffff, v7;
	v4 =	vld [tilespmem:s18+$0x20];
	s18 =	sadd.s32 $0x80, s18  }
0x66: {  	s22 =	sadd.s32 $0xFFFFFFFF, s22;
	v1 =	vld [tilespmem:s18+$0x30];
	[tilespmem:v0+s20+$0x20 ss:$0x1] =	vst.idx.msk $0xffff, v8  }
.Ltmp7:
0x67: {  	_ = 	snop;
	(pc) =	sbr.rel .LBB1_8-.Ltmp7, $1  }
0x68: {  	_ =	sdelay $0x3  }
.LBB1_6:
.Ltmp8:
0x69: {  	(pc) =	sbr.rel .LBB1_8-.Ltmp8, $2  }
0x6a: {  	_ =	sdelay $0x2  }
0x6b: {  	s21 =	simm.s32 $0x0  }
.LBB1_11:
0x6c: {  	_ =	sfence.sel $0x180000  }
0x6d: {  	s2 =	simm.s32 $0x1;
	[bflag:$0x0] =	sbarrier.arrive $0xFFFF  }
0x6e: {  	s31 =	simm.s32 $0x2;
	[sflag:s2] =	ssyncpa.u1 $0x1  }
0x6f: {  	[sflag:s31] =	ssyncpa.u1 $0x1  }
0x70: {  	p0 =	sne.s32 s0, $0x0;
	_ =	strace $0x90000047  }
0x71: {  	s0 =	sadd.s32 @!p0 $0x100000, s1;
	[bflag:$0x2] =	sbarrier.arrive $0xFFFF  }
0x72: {  	[sflag:s0] =	ssyncadd.tile.s32 @!p0 $0x1;
	_ =	shalt  }
.Lfunc_end1:
_tile_overlayer_lowered:
.L_overlay_start_2:
0x73: {  	(tag) =	ssettag $0x2  }
0x74: {  	s0 =	rddreg [dreg:$0x0];
	s2 =	stileid.u32  }
0x75: {  	s1 =	rddreg [dreg:$0x1];
	p0 =	sne.s32 s2, $0x0  }
0x76: {  	s3 =	rddreg [dreg:$0x2];
	[bflag:$0x3] =	sbarrier.arrive $0xFFFF;
	s2 =	simm.s32 @!p0 $0x1C01  }
0x77: {  	[timem:s3], [sflag:s2] =	dma.local @!p0 [hbm:s0], s1  }
0x78: {  	s0 =	simm.s32 @!p0 $0x1  }
0x79: {  	_ =	swait.ge @!p0 [sflag:s0], s1  }
0x7a: {  	s1 =	ssub.s32 @!p0 $0x0, s1;
	[sflag:s0] =	ssyncset.done @!p0 $0x0  }
0x7b: {  	[sflag:s0] =	ssyncadd.s32 @!p0 s1  }
0x7c: {  	[bflag:$0x3] =	sbarrier.arrive $0xFFFF  }
0x7d: {  	_ =	shalt  }

</sc_bundles>
